<compile_context>
chip_gen: v7x
topology: tpu7x:2x2x1
jax: 0.10.2.dev20260603
libtpu: 0.0.44.dev20260713+nightly
codegen_flags: <defaults>
</compile_context>

<pallas_src>
import functools

import jax
import jax.numpy as jnp
from jax import lax
from jax.experimental import pallas as pl
from jax.experimental.pallas import tpu as pltpu
from jax.experimental.pallas import tpu_sc as plsc

N = 10000
E = 320000
D = 128
C = 1024

NC = 2
NS = 16
NW = NC * NS
EPW = E // NW
CH = 80
NCH = EPW // CH
NP = 10240
RPS = NP // NS

GW = 72
GTOT = NW * GW


def _sc_mesh():
    return plsc.VectorSubcoreMesh(core_axis_name="c", subcore_axis_name="s")


def _segment_sum_partials(h, src_w, dst_w, zeros):

    @functools.partial(
        pl.kernel,
        out_type=jax.ShapeDtypeStruct((NC, NP, D), jnp.float32),
        mesh=_sc_mesh(),
        scratch_types=[
            pltpu.VMEM((NCH, CH), jnp.int32),
            pltpu.VMEM((NCH, CH), jnp.int32),
            pltpu.VMEM((CH, D), jnp.float32),
            pltpu.VMEM_SHARED((NP, D), jnp.float32),
        ],
    )
    def k(h_hbm, src_hbm, dst_hbm, z_hbm, out_hbm, src_v, dst_v, rows_v, agg_sh):
        cid = lax.axis_index("c")
        sid = lax.axis_index("s")
        wid = cid * NS + sid
        base = sid * RPS
        pltpu.sync_copy(z_hbm.at[pl.ds(base, RPS)], agg_sh.at[pl.ds(base, RPS)])
        pltpu.sync_copy(src_hbm.at[wid], src_v)
        pltpu.sync_copy(dst_hbm.at[wid], dst_v)
        plsc.subcore_barrier()

        @pl.loop(0, NCH)
        def _(i):
            pltpu.sync_copy(h_hbm.at[src_v.at[i]], rows_v)
            pltpu.sync_copy(rows_v, agg_sh.at[dst_v.at[i]], add=True)

        plsc.subcore_barrier()
        pltpu.sync_copy(agg_sh.at[pl.ds(base, RPS)],
                        out_hbm.at[cid, pl.ds(base, RPS)])

    return k(h, src_w, dst_w, zeros)


RB = 1000


def _gin_mlp(x, p, W1, b1, W2, b2):

    def body(x_ref, p_ref, w1_ref, b1_ref, w2_ref, b2_ref, o_ref):
        dot = lambda a, b: lax.dot_general(
            a, b, (((1,), (0,)), ((), ())),
            precision=lax.Precision.HIGHEST,
            preferred_element_type=jnp.float32)
        s = x_ref[...] + p_ref[0] + p_ref[1]
        a = jnp.maximum(dot(s, w1_ref[...]) + b1_ref[...], 0.0)
        o_ref[...] = dot(a, w2_ref[...]) + b2_ref[...]

    return pl.pallas_call(
        body,
        grid=(N // RB,),
        in_specs=[
            pl.BlockSpec((RB, D), lambda i: (i, 0)),
            pl.BlockSpec((NC, RB, D), lambda i: (0, i, 0)),
            pl.BlockSpec((D, D), lambda i: (0, 0)),
            pl.BlockSpec((1, D), lambda i: (0, 0)),
            pl.BlockSpec((D, D), lambda i: (0, 0)),
            pl.BlockSpec((1, D), lambda i: (0, 0)),
        ],
        out_specs=pl.BlockSpec((RB, D), lambda i: (i, 0)),
        out_shape=jax.ShapeDtypeStruct((N, D), jnp.float32),
    )(x, p, W1, b1.reshape(1, D), W2, b2.reshape(1, D))


def _gather_rows(h, idx_pad):

    @functools.partial(
        pl.kernel,
        out_type=jax.ShapeDtypeStruct((GTOT, D), jnp.float32),
        mesh=_sc_mesh(),
        scratch_types=[
            pltpu.VMEM((GW,), jnp.int32),
            pltpu.VMEM((GW, D), jnp.float32),
        ],
    )
    def k(h_hbm, idx_hbm, out_hbm, idx_v, rows_v):
        cid = lax.axis_index("c")
        sid = lax.axis_index("s")
        base = (cid * NS + sid) * GW
        pltpu.sync_copy(idx_hbm.at[pl.ds(base, GW)], idx_v)
        pltpu.sync_copy(h_hbm.at[idx_v], rows_v)
        pltpu.sync_copy(rows_v, out_hbm.at[pl.ds(base, GW)])

    return k(h, idx_pad)


def _score(g, t_row, Wt1, bt1, Wt2, bt2, Wp1, bp1, Wp2, bp2):

    def body(g_ref, t_ref, wt1_ref, bt1_ref, wt2_ref, bt2_ref,
             wp1_ref, bp1_ref, wp2_ref, o_ref):
        dot = lambda a, b: lax.dot_general(
            a, b, (((1,), (0,)), ((), ())),
            precision=lax.Precision.HIGHEST,
            preferred_element_type=jnp.float32)
        hu = g_ref[0:1, :]
        hv = g_ref[1:2, :]
        t_emb = dot(jnp.maximum(t_ref[...] * wt1_ref[...] + bt1_ref[...], 0.0),
                    wt2_ref[...]) + bt2_ref[...]
        bias = (dot(hu + hv, wp1_ref[0:D, :])
                + dot(jnp.abs(hu - hv), wp1_ref[D:2 * D, :])
                + dot(t_emb, wp1_ref[4 * D:5 * D, :])
                + bp1_ref[...])
        cu = g_ref[2:2 + C, :]
        cv = g_ref[2 + C:2 + 2 * C, :]
        acts = jnp.maximum(dot(cu + cv, wp1_ref[2 * D:3 * D, :])
                           + dot(jnp.abs(cu - cv), wp1_ref[3 * D:4 * D, :])
                           + bias, 0.0)
        o_ref[...] = jnp.sum(acts * wp2_ref[...], axis=1, keepdims=True)

    out = pl.pallas_call(
        body,
        out_shape=jax.ShapeDtypeStruct((C, 1), jnp.float32),
    )(g, t_row, Wt1, bt1.reshape(1, D), Wt2, bt2.reshape(1, D),
      Wp1, bp1.reshape(1, D), Wp2.reshape(1, D))
    return out[:, 0] + bp2[0]


def kernel(x, edge_index, first_edge, candidate_edges, t,
           gin0_W1, gin0_b1, gin0_W2, gin0_b2,
           gin1_W1, gin1_b1, gin1_W2, gin1_b2,
           Wt1, bt1, Wt2, bt2, Wp1, bp1, Wp2, bp2):
    src_w = edge_index[0].reshape(NW, NCH, CH)
    dst_w = edge_index[1].reshape(NW, NCH, CH)
    zeros = jnp.zeros((NP, D), jnp.float32)

    p0 = _segment_sum_partials(x, src_w, dst_w, zeros)
    h1 = _gin_mlp(x, p0, gin0_W1, gin0_b1, gin0_W2, gin0_b2)
    p1 = _segment_sum_partials(h1, src_w, dst_w, zeros)
    h2 = _gin_mlp(h1, p1, gin1_W1, gin1_b1, gin1_W2, gin1_b2)

    idx_pad = jnp.concatenate([
        first_edge.astype(jnp.int32),
        candidate_edges[:, 0].astype(jnp.int32),
        candidate_edges[:, 1].astype(jnp.int32),
        jnp.zeros((GTOT - 2 - 2 * C,), jnp.int32),
    ])
    g = _gather_rows(h2, idx_pad)

    t_row = jnp.full((1, D), 1.0, jnp.float32) * jnp.asarray(t, jnp.float32)
    return _score(g, t_row, Wt1, bt1, Wt2, bt2, Wp1, bp1, Wp2, bp2)

# --- scband reference (transcript-rebuilt; emitter-appended) ---
"""Pipeline reference for scband-graph-er-44272522887763 (READ-ONLY COPY).

The authoritative reference and input builder live on the scoring server;
editing this copy changes nothing except your own understanding.
"""

import jax, jax.numpy as jnp
import numpy as np

N = 10000
E = 320000
D = 128
H = 128
C = 1024


def setup_inputs(seed: int = 0) -> dict:
    key = jax.random.key(seed)
    ks = jax.random.split(key, 16)

    def w(k, shape, fan_in):
        return (jax.random.normal(k, shape, dtype=jnp.float32) / np.sqrt(fan_in)).astype(jnp.float32)

    inp = {
        "x": jax.random.normal(ks[0], (N, D), dtype=jnp.float32),
        "edge_index": jax.random.randint(ks[1], (2, E), 0, N, dtype=jnp.int32),
        "first_edge": jax.random.randint(ks[2], (2,), 0, N, dtype=jnp.int32),
        "candidate_edges": jax.random.randint(ks[3], (C, 2), 0, N, dtype=jnp.int32),
        "t": 10,
        "gin0_W1": w(ks[4], (D, H), D),
        "gin0_b1": jnp.zeros((H,), jnp.float32),
        "gin0_W2": w(ks[5], (H, H), H),
        "gin0_b2": jnp.zeros((H,), jnp.float32),
        "gin1_W1": w(ks[6], (H, H), H),
        "gin1_b1": jnp.zeros((H,), jnp.float32),
        "gin1_W2": w(ks[7], (H, H), H),
        "gin1_b2": jnp.zeros((H,), jnp.float32),
        "Wt1": w(ks[8], (1, H), 1),
        "bt1": jnp.zeros((H,), jnp.float32),
        "Wt2": w(ks[9], (H, H), H),
        "bt2": jnp.zeros((H,), jnp.float32),
        "Wp1": w(ks[10], (5 * H, H), 5 * H),
        "bp1": jnp.zeros((H,), jnp.float32),
        "Wp2": w(ks[11], (H, 1), H),
        "bp2": jnp.zeros((1,), jnp.float32),
    }
    return inp


def reference(x, edge_index, first_edge, candidate_edges, t,
              gin0_W1, gin0_b1, gin0_W2, gin0_b2,
              gin1_W1, gin1_b1, gin1_W2, gin1_b2,
              Wt1, bt1, Wt2, bt2, Wp1, bp1, Wp2, bp2):
    src = edge_index[0]
    dst = edge_index[1]
    h = x
    # GINConv (eps=0): h_i <- MLP(h_i + sum_{j -> i} h_j)
    for (W1, b1, W2, b2) in ((gin0_W1, gin0_b1, gin0_W2, gin0_b2),
                             (gin1_W1, gin1_b1, gin1_W2, gin1_b2)):
        agg = jax.ops.segment_sum(h[src], dst, num_segments=h.shape[0])
        h = jnp.maximum((h + agg) @ W1 + b1, 0.0) @ W2 + b2
    u = first_edge[0]
    v = first_edge[1]
    # get_edge_representation with method='sum_absdiff'
    fe = jnp.concatenate([h[u] + h[v], jnp.abs(h[u] - h[v])], axis=-1)
    t_arr = jnp.asarray(t).astype(jnp.float32).reshape(1, 1)
    t_emb = (jnp.maximum(t_arr @ Wt1 + bt1, 0.0) @ Wt2 + bt2)[0]
    cu = candidate_edges[:, 0]
    cv = candidate_edges[:, 1]
    ef = jnp.concatenate([h[cu] + h[cv], jnp.abs(h[cu] - h[cv])], axis=-1)
    n_cand = candidate_edges.shape[0]
    feat = jnp.concatenate([
        jnp.broadcast_to(fe[None, :], (n_cand, 2 * H)),
        ef,
        jnp.broadcast_to(t_emb[None, :], (n_cand, H)),
    ], axis=-1)
    logits = (jnp.maximum(feat @ Wp1 + bp1, 0.0) @ Wp2 + bp2)[:, 0]
    return logits

if __name__ == "__main__":
    import jax
    _d = setup_inputs()
    print(jax.jit(kernel)(*tuple(_d.values())))

</pallas_src>

<mosaic_0001>
#map = affine_map<(d0, d1) -> (0, 0)>
#map1 = affine_map<(d0, d1) -> (0, 0, 0)>
module attributes {stable_mosaic.version = 14 : i64} {
  func.func @k(%arg0: i32, %arg1: i32, %arg2: memref<10000x128xf32, #tpu.memory_space<hbm>>, %arg3: memref<32x125x80xi32, #tpu.memory_space<hbm>>, %arg4: memref<32x125x80xi32, #tpu.memory_space<hbm>>, %arg5: memref<10240x128xf32, #tpu.memory_space<hbm>>, %arg6: memref<2x10240x128xf32, #tpu.memory_space<hbm>>, %arg7: memref<125x80xi32, #tpu.memory_space<vmem>>, %arg8: memref<125x80xi32, #tpu.memory_space<vmem>>, %arg9: memref<80x128xf32, #tpu.memory_space<vmem>>, %arg10: memref<10240x128xf32, #tpu.memory_space<vmem_shared>>) attributes {dimension_semantics = [#tpu.dimension_semantics<core_parallel>, #tpu.dimension_semantics<subcore_parallel>], iteration_bounds = array<i64: 2, 16>, scalar_prefetch = 0 : i64, scratch_operands = 4 : i64, tpu.core_type = #tpu.core_type<sc_vector_subcore>, window_params = [{transform_indices = #map}, {transform_indices = #map1}, {transform_indices = #map1}, {transform_indices = #map}, {transform_indices = #map1}]} {
    %mul3A = arith.constant 16 : i32
    %mul3A_0 = arith.muli %arg0, %mul3A : i32
    %add3A = arith.addi %mul3A_0, %arg1 : i32
    %mul3A_1 = arith.constant 640 : i32
    %mul3A_2 = arith.muli %arg1, %mul3A_1 : i32
    "tpu.region"() ({
      %run_scoped3A = tpu.sem_alloc : memref<!tpu.dma_semaphore, #tpu.memory_space<semaphore_mem>>
      %dma_start3A = arith.constant 0 : i32
      %dma_start3A_8 = tpu.memref_slice %arg10[%mul3A_2, %dma_start3A] : memref<10240x128xf32, #tpu.memory_space<vmem_shared>> -> memref<640x128xf32, #tpu.memory_space<vmem_shared>>
      %dma_start3A_9 = arith.constant 0 : i32
      %dma_start3A_10 = tpu.memref_slice %arg5[%mul3A_2, %dma_start3A_9] : memref<10240x128xf32, #tpu.memory_space<hbm>> -> memref<640x128xf32, #tpu.memory_space<hbm>>
      tpu.enqueue_dma source(%dma_start3A_10 : memref<640x128xf32, #tpu.memory_space<hbm>>) target(%dma_start3A_8 : memref<640x128xf32, #tpu.memory_space<vmem_shared>>) target_semaphore(%run_scoped3A : memref<!tpu.dma_semaphore, #tpu.memory_space<semaphore_mem>>)
      %dma_wait3A = arith.constant 0 : i32
      %dma_wait3A_11 = tpu.memref_slice %arg10[%mul3A_2, %dma_wait3A] : memref<10240x128xf32, #tpu.memory_space<vmem_shared>> -> memref<640x128xf32, #tpu.memory_space<vmem_shared>>
      %dma_wait3A_12 = arith.constant 0 : i32
      %dma_wait3A_13 = tpu.memref_slice %arg5[%mul3A_2, %dma_wait3A_12] : memref<10240x128xf32, #tpu.memory_space<hbm>> -> memref<640x128xf32, #tpu.memory_space<hbm>>
      tpu.wait_dma2 semaphore(%run_scoped3A : memref<!tpu.dma_semaphore, #tpu.memory_space<semaphore_mem>>) src(%dma_wait3A_13 : memref<640x128xf32, #tpu.memory_space<hbm>>) dst(%dma_wait3A_11 : memref<640x128xf32, #tpu.memory_space<vmem_shared>>)
      tpu.yield
    }) : () -> ()
    "tpu.region"() ({
      %run_scoped3A = tpu.sem_alloc : memref<!tpu.dma_semaphore, #tpu.memory_space<semaphore_mem>>
      %dma_start3A = arith.constant 0 : i32
      %dma_start3A_8 = arith.constant 0 : i32
      %dma_start3A_9 = tpu.memref_slice %arg3[%add3A, %dma_start3A, %dma_start3A_8] : memref<32x125x80xi32, #tpu.memory_space<hbm>> -> memref<1x125x80xi32, #tpu.memory_space<hbm>>
      %dma_start3A_10 = tpu.memref_squeeze %dma_start3A_9 : memref<1x125x80xi32, #tpu.memory_space<hbm>> -> memref<125x80xi32, #tpu.memory_space<hbm>>
      %dma_start3A_11 = arith.constant 0 : i32
      %dma_start3A_12 = arith.constant 0 : i32
      %dma_start3A_13 = tpu.memref_slice %arg3[%add3A, %dma_start3A_11, %dma_start3A_12] : memref<32x125x80xi32, #tpu.memory_space<hbm>> -> memref<1x125x80xi32, #tpu.memory_space<hbm>>
      %dma_start3A_14 = tpu.memref_squeeze %dma_start3A_13 : memref<1x125x80xi32, #tpu.memory_space<hbm>> -> memref<125x80xi32, #tpu.memory_space<hbm>>
      tpu.enqueue_dma source(%dma_start3A_14 : memref<125x80xi32, #tpu.memory_space<hbm>>) target(%arg7 : memref<125x80xi32, #tpu.memory_space<vmem>>) target_semaphore(%run_scoped3A : memref<!tpu.dma_semaphore, #tpu.memory_space<semaphore_mem>>)
      %dma_wait3A = arith.constant 0 : i32
      %dma_wait3A_15 = arith.constant 0 : i32
      %dma_wait3A_16 = tpu.memref_slice %arg3[%add3A, %dma_wait3A, %dma_wait3A_15] : memref<32x125x80xi32, #tpu.memory_space<hbm>> -> memref<1x125x80xi32, #tpu.memory_space<hbm>>
      %dma_wait3A_17 = tpu.memref_squeeze %dma_wait3A_16 : memref<1x125x80xi32, #tpu.memory_space<hbm>> -> memref<125x80xi32, #tpu.memory_space<hbm>>
      %dma_wait3A_18 = arith.constant 0 : i32
      %dma_wait3A_19 = arith.constant 0 : i32
      %dma_wait3A_20 = tpu.memref_slice %arg3[%add3A, %dma_wait3A_18, %dma_wait3A_19] : memref<32x125x80xi32, #tpu.memory_space<hbm>> -> memref<1x125x80xi32, #tpu.memory_space<hbm>>
      %dma_wait3A_21 = tpu.memref_squeeze %dma_wait3A_20 : memref<1x125x80xi32, #tpu.memory_space<hbm>> -> memref<125x80xi32, #tpu.memory_space<hbm>>
      tpu.wait_dma2 semaphore(%run_scoped3A : memref<!tpu.dma_semaphore, #tpu.memory_space<semaphore_mem>>) src(%dma_wait3A_21 : memref<125x80xi32, #tpu.memory_space<hbm>>) dst(%arg7 : memref<125x80xi32, #tpu.memory_space<vmem>>)
      tpu.yield
    }) : () -> ()
    "tpu.region"() ({
      %run_scoped3A = tpu.sem_alloc : memref<!tpu.dma_semaphore, #tpu.memory_space<semaphore_mem>>
      %dma_start3A = arith.constant 0 : i32
      %dma_start3A_8 = arith.constant 0 : i32
      %dma_start3A_9 = tpu.memref_slice %arg4[%add3A, %dma_start3A, %dma_start3A_8] : memref<32x125x80xi32, #tpu.memory_space<hbm>> -> memref<1x125x80xi32, #tpu.memory_space<hbm>>
      %dma_start3A_10 = tpu.memref_squeeze %dma_start3A_9 : memref<1x125x80xi32, #tpu.memory_space<hbm>> -> memref<125x80xi32, #tpu.memory_space<hbm>>
      %dma_start3A_11 = arith.constant 0 : i32
      %dma_start3A_12 = arith.constant 0 : i32
      %dma_start3A_13 = tpu.memref_slice %arg4[%add3A, %dma_start3A_11, %dma_start3A_12] : memref<32x125x80xi32, #tpu.memory_space<hbm>> -> memref<1x125x80xi32, #tpu.memory_space<hbm>>
      %dma_start3A_14 = tpu.memref_squeeze %dma_start3A_13 : memref<1x125x80xi32, #tpu.memory_space<hbm>> -> memref<125x80xi32, #tpu.memory_space<hbm>>
      tpu.enqueue_dma source(%dma_start3A_14 : memref<125x80xi32, #tpu.memory_space<hbm>>) target(%arg8 : memref<125x80xi32, #tpu.memory_space<vmem>>) target_semaphore(%run_scoped3A : memref<!tpu.dma_semaphore, #tpu.memory_space<semaphore_mem>>)
      %dma_wait3A = arith.constant 0 : i32
      %dma_wait3A_15 = arith.constant 0 : i32
      %dma_wait3A_16 = tpu.memref_slice %arg4[%add3A, %dma_wait3A, %dma_wait3A_15] : memref<32x125x80xi32, #tpu.memory_space<hbm>> -> memref<1x125x80xi32, #tpu.memory_space<hbm>>
      %dma_wait3A_17 = tpu.memref_squeeze %dma_wait3A_16 : memref<1x125x80xi32, #tpu.memory_space<hbm>> -> memref<125x80xi32, #tpu.memory_space<hbm>>
      %dma_wait3A_18 = arith.constant 0 : i32
      %dma_wait3A_19 = arith.constant 0 : i32
      %dma_wait3A_20 = tpu.memref_slice %arg4[%add3A, %dma_wait3A_18, %dma_wait3A_19] : memref<32x125x80xi32, #tpu.memory_space<hbm>> -> memref<1x125x80xi32, #tpu.memory_space<hbm>>
      %dma_wait3A_21 = tpu.memref_squeeze %dma_wait3A_20 : memref<1x125x80xi32, #tpu.memory_space<hbm>> -> memref<125x80xi32, #tpu.memory_space<hbm>>
      tpu.wait_dma2 semaphore(%run_scoped3A : memref<!tpu.dma_semaphore, #tpu.memory_space<semaphore_mem>>) src(%dma_wait3A_21 : memref<125x80xi32, #tpu.memory_space<hbm>>) dst(%arg8 : memref<125x80xi32, #tpu.memory_space<vmem>>)
      tpu.yield
    }) : () -> ()
    %barrier3A = arith.constant 0 : index
    tpu.barrier barrier_id(%barrier3A)
    %scan3A = arith.constant 0 : i32
    %scan3A_3 = arith.constant 125 : i32
    %scan3A_4 = arith.addi %scan3A, %scan3A_3 : i32
    %scan3A_5 = arith.constant 1 : i32
    scf.for %scan3A_8 = %scan3A to %scan3A_4 step %scan3A_5  : i32 {
      %mul3A_9 = arith.constant 1 : i32
      %mul3A_10 = arith.muli %scan3A_8, %mul3A_9 : i32
      %add3A_11 = arith.constant 0 : i32
      %add3A_12 = arith.addi %add3A_11, %mul3A_10 : i32
      "tpu.region"() ({
        %run_scoped3A = tpu.sem_alloc : memref<!tpu.dma_semaphore, #tpu.memory_space<semaphore_mem>>
        %dma_start3A = arith.constant 0 : i32
        %dma_start3A_13 = tpu.memref_slice %arg7[%add3A_12, %dma_start3A] : memref<125x80xi32, #tpu.memory_space<vmem>> -> memref<1x80xi32, #tpu.memory_space<vmem>>
        %dma_start3A_14 = tpu.memref_squeeze %dma_start3A_13 : memref<1x80xi32, #tpu.memory_space<vmem>> -> memref<80xi32, #tpu.memory_space<vmem>>
        %dma_start3A_15 = arith.constant 0 : i32
        %dma_start3A_16 = arith.constant 0 : i32
        %dma_start3A_17 = tpu.memref_slice %arg2[%dma_start3A_15, %dma_start3A_16] : memref<10000x128xf32, #tpu.memory_space<hbm>> -> memref<10000x128xf32, #tpu.memory_space<hbm>>
        tpu.enqueue_indirect_dma source(%dma_start3A_17 : memref<10000x128xf32, #tpu.memory_space<hbm>>) target(%arg9 : memref<80x128xf32, #tpu.memory_space<vmem>>) offsets(%dma_start3A_14 : memref<80xi32, #tpu.memory_space<vmem>>) semaphore(%run_scoped3A : memref<!tpu.dma_semaphore, #tpu.memory_space<semaphore_mem>>)
        %dma_wait3A = arith.constant 0 : i32
        %dma_wait3A_18 = tpu.memref_slice %arg7[%add3A_12, %dma_wait3A] : memref<125x80xi32, #tpu.memory_space<vmem>> -> memref<1x80xi32, #tpu.memory_space<vmem>>
        %dma_wait3A_19 = tpu.memref_squeeze %dma_wait3A_18 : memref<1x80xi32, #tpu.memory_space<vmem>> -> memref<80xi32, #tpu.memory_space<vmem>>
        %dma_wait3A_20 = arith.constant 0 : i32
        %dma_wait3A_21 = arith.constant 0 : i32
        %dma_wait3A_22 = tpu.memref_slice %arg2[%dma_wait3A_20, %dma_wait3A_21] : memref<10000x128xf32, #tpu.memory_space<hbm>> -> memref<10000x128xf32, #tpu.memory_space<hbm>>
        tpu.wait_indirect_dma semaphore(%run_scoped3A : memref<!tpu.dma_semaphore, #tpu.memory_space<semaphore_mem>>) src(%dma_wait3A_22 : memref<10000x128xf32, #tpu.memory_space<hbm>>) dst(%arg9 : memref<80x128xf32, #tpu.memory_space<vmem>>)
        tpu.yield
      }) : () -> ()
      "tpu.region"() ({
        %run_scoped3A = tpu.sem_alloc : memref<!tpu.dma_semaphore, #tpu.memory_space<semaphore_mem>>
        %dma_start3A = arith.constant 0 : i32
        %dma_start3A_13 = tpu.memref_slice %arg8[%add3A_12, %dma_start3A] : memref<125x80xi32, #tpu.memory_space<vmem>> -> memref<1x80xi32, #tpu.memory_space<vmem>>
        %dma_start3A_14 = tpu.memref_squeeze %dma_start3A_13 : memref<1x80xi32, #tpu.memory_space<vmem>> -> memref<80xi32, #tpu.memory_space<vmem>>
        %dma_start3A_15 = arith.constant 0 : i32
        %dma_start3A_16 = arith.constant 0 : i32
        %dma_start3A_17 = tpu.memref_slice %arg10[%dma_start3A_15, %dma_start3A_16] : memref<10240x128xf32, #tpu.memory_space<vmem_shared>> -> memref<10240x128xf32, #tpu.memory_space<vmem_shared>>
        tpu.enqueue_indirect_dma source(%arg9 : memref<80x128xf32, #tpu.memory_space<vmem>>) target(%dma_start3A_17 : memref<10240x128xf32, #tpu.memory_space<vmem_shared>>) offsets(%dma_start3A_14 : memref<80xi32, #tpu.memory_space<vmem>>) semaphore(%run_scoped3A : memref<!tpu.dma_semaphore, #tpu.memory_space<semaphore_mem>>) {add = true}
        %dma_wait3A = arith.constant 0 : i32
        %dma_wait3A_18 = tpu.memref_slice %arg8[%add3A_12, %dma_wait3A] : memref<125x80xi32, #tpu.memory_space<vmem>> -> memref<1x80xi32, #tpu.memory_space<vmem>>
        %dma_wait3A_19 = tpu.memref_squeeze %dma_wait3A_18 : memref<1x80xi32, #tpu.memory_space<vmem>> -> memref<80xi32, #tpu.memory_space<vmem>>
        %dma_wait3A_20 = arith.constant 0 : i32
        %dma_wait3A_21 = arith.constant 0 : i32
        %dma_wait3A_22 = tpu.memref_slice %arg10[%dma_wait3A_20, %dma_wait3A_21] : memref<10240x128xf32, #tpu.memory_space<vmem_shared>> -> memref<10240x128xf32, #tpu.memory_space<vmem_shared>>
        tpu.wait_indirect_dma semaphore(%run_scoped3A : memref<!tpu.dma_semaphore, #tpu.memory_space<semaphore_mem>>) src(%arg9 : memref<80x128xf32, #tpu.memory_space<vmem>>) dst(%dma_wait3A_22 : memref<10240x128xf32, #tpu.memory_space<vmem_shared>>)
        tpu.yield
      }) : () -> ()
    }
    %scan3A_6 = arith.constant 125 : i32
    %barrier3A_7 = arith.constant 0 : index
    tpu.barrier barrier_id(%barrier3A_7)
    "tpu.region"() ({
      %run_scoped3A = tpu.sem_alloc : memref<!tpu.dma_semaphore, #tpu.memory_space<semaphore_mem>>
      %dma_start3A = arith.constant 0 : i32
      %dma_start3A_8 = tpu.memref_slice %arg6[%arg0, %mul3A_2, %dma_start3A] : memref<2x10240x128xf32, #tpu.memory_space<hbm>> -> memref<1x640x128xf32, #tpu.memory_space<hbm>>
      %dma_start3A_9 = tpu.memref_squeeze %dma_start3A_8 : memref<1x640x128xf32, #tpu.memory_space<hbm>> -> memref<640x128xf32, #tpu.memory_space<hbm>>
      %dma_start3A_10 = arith.constant 0 : i32
      %dma_start3A_11 = tpu.memref_slice %arg10[%mul3A_2, %dma_start3A_10] : memref<10240x128xf32, #tpu.memory_space<vmem_shared>> -> memref<640x128xf32, #tpu.memory_space<vmem_shared>>
      tpu.enqueue_dma source(%dma_start3A_11 : memref<640x128xf32, #tpu.memory_space<vmem_shared>>) target(%dma_start3A_9 : memref<640x128xf32, #tpu.memory_space<hbm>>) target_semaphore(%run_scoped3A : memref<!tpu.dma_semaphore, #tpu.memory_space<semaphore_mem>>)
      %dma_wait3A = arith.constant 0 : i32
      %dma_wait3A_12 = tpu.memref_slice %arg6[%arg0, %mul3A_2, %dma_wait3A] : memref<2x10240x128xf32, #tpu.memory_space<hbm>> -> memref<1x640x128xf32, #tpu.memory_space<hbm>>
      %dma_wait3A_13 = tpu.memref_squeeze %dma_wait3A_12 : memref<1x640x128xf32, #tpu.memory_space<hbm>> -> memref<640x128xf32, #tpu.memory_space<hbm>>
      %dma_wait3A_14 = arith.constant 0 : i32
      %dma_wait3A_15 = tpu.memref_slice %arg10[%mul3A_2, %dma_wait3A_14] : memref<10240x128xf32, #tpu.memory_space<vmem_shared>> -> memref<640x128xf32, #tpu.memory_space<vmem_shared>>
      tpu.wait_dma2 semaphore(%run_scoped3A : memref<!tpu.dma_semaphore, #tpu.memory_space<semaphore_mem>>) src(%dma_wait3A_15 : memref<640x128xf32, #tpu.memory_space<vmem_shared>>) dst(%dma_wait3A_13 : memref<640x128xf32, #tpu.memory_space<hbm>>)
      tpu.yield
    }) : () -> ()
    return
  }
}

#map = affine_map<(d0, d1) -> (0, 0)>
#map1 = affine_map<(d0, d1) -> (0, 0, 0)>
module attributes {stable_mosaic.version = 14 : i64} {
  func.func @k(%arg0: i32, %arg1: i32, %arg2: memref<10000x128xf32, #tpu.memory_space<hbm>>, %arg3: memref<32x125x80xi32, #tpu.memory_space<hbm>>, %arg4: memref<32x125x80xi32, #tpu.memory_space<hbm>>, %arg5: memref<10240x128xf32, #tpu.memory_space<hbm>>, %arg6: memref<2x10240x128xf32, #tpu.memory_space<hbm>>, %arg7: memref<125x80xi32, #tpu.memory_space<vmem>>, %arg8: memref<125x80xi32, #tpu.memory_space<vmem>>, %arg9: memref<80x128xf32, #tpu.memory_space<vmem>>, %arg10: memref<10240x128xf32, #tpu.memory_space<vmem_shared>>) attributes {dimension_semantics = [#tpu.dimension_semantics<core_parallel>, #tpu.dimension_semantics<subcore_parallel>], iteration_bounds = array<i64: 2, 16>, scalar_prefetch = 0 : i64, scratch_operands = 4 : i64, tpu.core_type = #tpu.core_type<sc_vector_subcore>, window_params = [{transform_indices = #map}, {transform_indices = #map1}, {transform_indices = #map1}, {transform_indices = #map}, {transform_indices = #map1}]} {
    %mul3A = arith.constant 16 : i32
    %mul3A_0 = arith.muli %arg0, %mul3A : i32
    %add3A = arith.addi %mul3A_0, %arg1 : i32
    %mul3A_1 = arith.constant 640 : i32
    %mul3A_2 = arith.muli %arg1, %mul3A_1 : i32
    "tpu.region"() ({
      %run_scoped3A = tpu.sem_alloc : memref<!tpu.dma_semaphore, #tpu.memory_space<semaphore_mem>>
      %dma_start3A = arith.constant 0 : i32
      %dma_start3A_8 = tpu.memref_slice %arg10[%mul3A_2, %dma_start3A] : memref<10240x128xf32, #tpu.memory_space<vmem_shared>> -> memref<640x128xf32, #tpu.memory_space<vmem_shared>>
      %dma_start3A_9 = arith.constant 0 : i32
      %dma_start3A_10 = tpu.memref_slice %arg5[%mul3A_2, %dma_start3A_9] : memref<10240x128xf32, #tpu.memory_space<hbm>> -> memref<640x128xf32, #tpu.memory_space<hbm>>
      tpu.enqueue_dma source(%dma_start3A_10 : memref<640x128xf32, #tpu.memory_space<hbm>>) target(%dma_start3A_8 : memref<640x128xf32, #tpu.memory_space<vmem_shared>>) target_semaphore(%run_scoped3A : memref<!tpu.dma_semaphore, #tpu.memory_space<semaphore_mem>>)
      %dma_wait3A = arith.constant 0 : i32
      %dma_wait3A_11 = tpu.memref_slice %arg10[%mul3A_2, %dma_wait3A] : memref<10240x128xf32, #tpu.memory_space<vmem_shared>> -> memref<640x128xf32, #tpu.memory_space<vmem_shared>>
      %dma_wait3A_12 = arith.constant 0 : i32
      %dma_wait3A_13 = tpu.memref_slice %arg5[%mul3A_2, %dma_wait3A_12] : memref<10240x128xf32, #tpu.memory_space<hbm>> -> memref<640x128xf32, #tpu.memory_space<hbm>>
      tpu.wait_dma2 semaphore(%run_scoped3A : memref<!tpu.dma_semaphore, #tpu.memory_space<semaphore_mem>>) src(%dma_wait3A_13 : memref<640x128xf32, #tpu.memory_space<hbm>>) dst(%dma_wait3A_11 : memref<640x128xf32, #tpu.memory_space<vmem_shared>>)
      tpu.yield
    }) : () -> ()
    "tpu.region"() ({
      %run_scoped3A = tpu.sem_alloc : memref<!tpu.dma_semaphore, #tpu.memory_space<semaphore_mem>>
      %dma_start3A = arith.constant 0 : i32
      %dma_start3A_8 = arith.constant 0 : i32
      %dma_start3A_9 = tpu.memref_slice %arg3[%add3A, %dma_start3A, %dma_start3A_8] : memref<32x125x80xi32, #tpu.memory_space<hbm>> -> memref<1x125x80xi32, #tpu.memory_space<hbm>>
      %dma_start3A_10 = tpu.memref_squeeze %dma_start3A_9 : memref<1x125x80xi32, #tpu.memory_space<hbm>> -> memref<125x80xi32, #tpu.memory_space<hbm>>
      %dma_start3A_11 = arith.constant 0 : i32
      %dma_start3A_12 = arith.constant 0 : i32
      %dma_start3A_13 = tpu.memref_slice %arg3[%add3A, %dma_start3A_11, %dma_start3A_12] : memref<32x125x80xi32, #tpu.memory_space<hbm>> -> memref<1x125x80xi32, #tpu.memory_space<hbm>>
      %dma_start3A_14 = tpu.memref_squeeze %dma_start3A_13 : memref<1x125x80xi32, #tpu.memory_space<hbm>> -> memref<125x80xi32, #tpu.memory_space<hbm>>
      tpu.enqueue_dma source(%dma_start3A_14 : memref<125x80xi32, #tpu.memory_space<hbm>>) target(%arg7 : memref<125x80xi32, #tpu.memory_space<vmem>>) target_semaphore(%run_scoped3A : memref<!tpu.dma_semaphore, #tpu.memory_space<semaphore_mem>>)
      %dma_wait3A = arith.constant 0 : i32
      %dma_wait3A_15 = arith.constant 0 : i32
      %dma_wait3A_16 = tpu.memref_slice %arg3[%add3A, %dma_wait3A, %dma_wait3A_15] : memref<32x125x80xi32, #tpu.memory_space<hbm>> -> memref<1x125x80xi32, #tpu.memory_space<hbm>>
      %dma_wait3A_17 = tpu.memref_squeeze %dma_wait3A_16 : memref<1x125x80xi32, #tpu.memory_space<hbm>> -> memref<125x80xi32, #tpu.memory_space<hbm>>
      %dma_wait3A_18 = arith.constant 0 : i32
      %dma_wait3A_19 = arith.constant 0 : i32
      %dma_wait3A_20 = tpu.memref_slice %arg3[%add3A, %dma_wait3A_18, %dma_wait3A_19] : memref<32x125x80xi32, #tpu.memory_space<hbm>> -> memref<1x125x80xi32, #tpu.memory_space<hbm>>
      %dma_wait3A_21 = tpu.memref_squeeze %dma_wait3A_20 : memref<1x125x80xi32, #tpu.memory_space<hbm>> -> memref<125x80xi32, #tpu.memory_space<hbm>>
      tpu.wait_dma2 semaphore(%run_scoped3A : memref<!tpu.dma_semaphore, #tpu.memory_space<semaphore_mem>>) src(%dma_wait3A_21 : memref<125x80xi32, #tpu.memory_space<hbm>>) dst(%arg7 : memref<125x80xi32, #tpu.memory_space<vmem>>)
      tpu.yield
    }) : () -> ()
    "tpu.region"() ({
      %run_scoped3A = tpu.sem_alloc : memref<!tpu.dma_semaphore, #tpu.memory_space<semaphore_mem>>
      %dma_start3A = arith.constant 0 : i32
      %dma_start3A_8 = arith.constant 0 : i32
      %dma_start3A_9 = tpu.memref_slice %arg4[%add3A, %dma_start3A, %dma_start3A_8] : memref<32x125x80xi32, #tpu.memory_space<hbm>> -> memref<1x125x80xi32, #tpu.memory_space<hbm>>
      %dma_start3A_10 = tpu.memref_squeeze %dma_start3A_9 : memref<1x125x80xi32, #tpu.memory_space<hbm>> -> memref<125x80xi32, #tpu.memory_space<hbm>>
      %dma_start3A_11 = arith.constant 0 : i32
      %dma_start3A_12 = arith.constant 0 : i32
      %dma_start3A_13 = tpu.memref_slice %arg4[%add3A, %dma_start3A_11, %dma_start3A_12] : memref<32x125x80xi32, #tpu.memory_space<hbm>> -> memref<1x125x80xi32, #tpu.memory_space<hbm>>
      %dma_start3A_14 = tpu.memref_squeeze %dma_start3A_13 : memref<1x125x80xi32, #tpu.memory_space<hbm>> -> memref<125x80xi32, #tpu.memory_space<hbm>>
      tpu.enqueue_dma source(%dma_start3A_14 : memref<125x80xi32, #tpu.memory_space<hbm>>) target(%arg8 : memref<125x80xi32, #tpu.memory_space<vmem>>) target_semaphore(%run_scoped3A : memref<!tpu.dma_semaphore, #tpu.memory_space<semaphore_mem>>)
      %dma_wait3A = arith.constant 0 : i32
      %dma_wait3A_15 = arith.constant 0 : i32
      %dma_wait3A_16 = tpu.memref_slice %arg4[%add3A, %dma_wait3A, %dma_wait3A_15] : memref<32x125x80xi32, #tpu.memory_space<hbm>> -> memref<1x125x80xi32, #tpu.memory_space<hbm>>
      %dma_wait3A_17 = tpu.memref_squeeze %dma_wait3A_16 : memref<1x125x80xi32, #tpu.memory_space<hbm>> -> memref<125x80xi32, #tpu.memory_space<hbm>>
      %dma_wait3A_18 = arith.constant 0 : i32
      %dma_wait3A_19 = arith.constant 0 : i32
      %dma_wait3A_20 = tpu.memref_slice %arg4[%add3A, %dma_wait3A_18, %dma_wait3A_19] : memref<32x125x80xi32, #tpu.memory_space<hbm>> -> memref<1x125x80xi32, #tpu.memory_space<hbm>>
      %dma_wait3A_21 = tpu.memref_squeeze %dma_wait3A_20 : memref<1x125x80xi32, #tpu.memory_space<hbm>> -> memref<125x80xi32, #tpu.memory_space<hbm>>
      tpu.wait_dma2 semaphore(%run_scoped3A : memref<!tpu.dma_semaphore, #tpu.memory_space<semaphore_mem>>) src(%dma_wait3A_21 : memref<125x80xi32, #tpu.memory_space<hbm>>) dst(%arg8 : memref<125x80xi32, #tpu.memory_space<vmem>>)
      tpu.yield
    }) : () -> ()
    %barrier3A = arith.constant 0 : index
    tpu.barrier barrier_id(%barrier3A)
    %scan3A = arith.constant 0 : i32
    %scan3A_3 = arith.constant 125 : i32
    %scan3A_4 = arith.addi %scan3A, %scan3A_3 : i32
    %scan3A_5 = arith.constant 1 : i32
    scf.for %scan3A_8 = %scan3A to %scan3A_4 step %scan3A_5  : i32 {
      %mul3A_9 = arith.constant 1 : i32
      %mul3A_10 = arith.muli %scan3A_8, %mul3A_9 : i32
      %add3A_11 = arith.constant 0 : i32
      %add3A_12 = arith.addi %add3A_11, %mul3A_10 : i32
      "tpu.region"() ({
        %run_scoped3A = tpu.sem_alloc : memref<!tpu.dma_semaphore, #tpu.memory_space<semaphore_mem>>
        %dma_start3A = arith.constant 0 : i32
        %dma_start3A_13 = tpu.memref_slice %arg7[%add3A_12, %dma_start3A] : memref<125x80xi32, #tpu.memory_space<vmem>> -> memref<1x80xi32, #tpu.memory_space<vmem>>
        %dma_start3A_14 = tpu.memref_squeeze %dma_start3A_13 : memref<1x80xi32, #tpu.memory_space<vmem>> -> memref<80xi32, #tpu.memory_space<vmem>>
        %dma_start3A_15 = arith.constant 0 : i32
        %dma_start3A_16 = arith.constant 0 : i32
        %dma_start3A_17 = tpu.memref_slice %arg2[%dma_start3A_15, %dma_start3A_16] : memref<10000x128xf32, #tpu.memory_space<hbm>> -> memref<10000x128xf32, #tpu.memory_space<hbm>>
        tpu.enqueue_indirect_dma source(%dma_start3A_17 : memref<10000x128xf32, #tpu.memory_space<hbm>>) target(%arg9 : memref<80x128xf32, #tpu.memory_space<vmem>>) offsets(%dma_start3A_14 : memref<80xi32, #tpu.memory_space<vmem>>) semaphore(%run_scoped3A : memref<!tpu.dma_semaphore, #tpu.memory_space<semaphore_mem>>)
        %dma_wait3A = arith.constant 0 : i32
        %dma_wait3A_18 = tpu.memref_slice %arg7[%add3A_12, %dma_wait3A] : memref<125x80xi32, #tpu.memory_space<vmem>> -> memref<1x80xi32, #tpu.memory_space<vmem>>
        %dma_wait3A_19 = tpu.memref_squeeze %dma_wait3A_18 : memref<1x80xi32, #tpu.memory_space<vmem>> -> memref<80xi32, #tpu.memory_space<vmem>>
        %dma_wait3A_20 = arith.constant 0 : i32
        %dma_wait3A_21 = arith.constant 0 : i32
        %dma_wait3A_22 = tpu.memref_slice %arg2[%dma_wait3A_20, %dma_wait3A_21] : memref<10000x128xf32, #tpu.memory_space<hbm>> -> memref<10000x128xf32, #tpu.memory_space<hbm>>
        tpu.wait_indirect_dma semaphore(%run_scoped3A : memref<!tpu.dma_semaphore, #tpu.memory_space<semaphore_mem>>) src(%dma_wait3A_22 : memref<10000x128xf32, #tpu.memory_space<hbm>>) dst(%arg9 : memref<80x128xf32, #tpu.memory_space<vmem>>)
        tpu.yield
      }) : () -> ()
      "tpu.region"() ({
        %run_scoped3A = tpu.sem_alloc : memref<!tpu.dma_semaphore, #tpu.memory_space<semaphore_mem>>
        %dma_start3A = arith.constant 0 : i32
        %dma_start3A_13 = tpu.memref_slice %arg8[%add3A_12, %dma_start3A] : memref<125x80xi32, #tpu.memory_space<vmem>> -> memref<1x80xi32, #tpu.memory_space<vmem>>
        %dma_start3A_14 = tpu.memref_squeeze %dma_start3A_13 : memref<1x80xi32, #tpu.memory_space<vmem>> -> memref<80xi32, #tpu.memory_space<vmem>>
        %dma_start3A_15 = arith.constant 0 : i32
        %dma_start3A_16 = arith.constant 0 : i32
        %dma_start3A_17 = tpu.memref_slice %arg10[%dma_start3A_15, %dma_start3A_16] : memref<10240x128xf32, #tpu.memory_space<vmem_shared>> -> memref<10240x128xf32, #tpu.memory_space<vmem_shared>>
        tpu.enqueue_indirect_dma source(%arg9 : memref<80x128xf32, #tpu.memory_space<vmem>>) target(%dma_start3A_17 : memref<10240x128xf32, #tpu.memory_space<vmem_shared>>) offsets(%dma_start3A_14 : memref<80xi32, #tpu.memory_space<vmem>>) semaphore(%run_scoped3A : memref<!tpu.dma_semaphore, #tpu.memory_space<semaphore_mem>>) {add = true}
        %dma_wait3A = arith.constant 0 : i32
        %dma_wait3A_18 = tpu.memref_slice %arg8[%add3A_12, %dma_wait3A] : memref<125x80xi32, #tpu.memory_space<vmem>> -> memref<1x80xi32, #tpu.memory_space<vmem>>
        %dma_wait3A_19 = tpu.memref_squeeze %dma_wait3A_18 : memref<1x80xi32, #tpu.memory_space<vmem>> -> memref<80xi32, #tpu.memory_space<vmem>>
        %dma_wait3A_20 = arith.constant 0 : i32
        %dma_wait3A_21 = arith.constant 0 : i32
        %dma_wait3A_22 = tpu.memref_slice %arg10[%dma_wait3A_20, %dma_wait3A_21] : memref<10240x128xf32, #tpu.memory_space<vmem_shared>> -> memref<10240x128xf32, #tpu.memory_space<vmem_shared>>
        tpu.wait_indirect_dma semaphore(%run_scoped3A : memref<!tpu.dma_semaphore, #tpu.memory_space<semaphore_mem>>) src(%arg9 : memref<80x128xf32, #tpu.memory_space<vmem>>) dst(%dma_wait3A_22 : memref<10240x128xf32, #tpu.memory_space<vmem_shared>>)
        tpu.yield
      }) : () -> ()
    }
    %scan3A_6 = arith.constant 125 : i32
    %barrier3A_7 = arith.constant 0 : index
    tpu.barrier barrier_id(%barrier3A_7)
    "tpu.region"() ({
      %run_scoped3A = tpu.sem_alloc : memref<!tpu.dma_semaphore, #tpu.memory_space<semaphore_mem>>
      %dma_start3A = arith.constant 0 : i32
      %dma_start3A_8 = tpu.memref_slice %arg6[%arg0, %mul3A_2, %dma_start3A] : memref<2x10240x128xf32, #tpu.memory_space<hbm>> -> memref<1x640x128xf32, #tpu.memory_space<hbm>>
      %dma_start3A_9 = tpu.memref_squeeze %dma_start3A_8 : memref<1x640x128xf32, #tpu.memory_space<hbm>> -> memref<640x128xf32, #tpu.memory_space<hbm>>
      %dma_start3A_10 = arith.constant 0 : i32
      %dma_start3A_11 = tpu.memref_slice %arg10[%mul3A_2, %dma_start3A_10] : memref<10240x128xf32, #tpu.memory_space<vmem_shared>> -> memref<640x128xf32, #tpu.memory_space<vmem_shared>>
      tpu.enqueue_dma source(%dma_start3A_11 : memref<640x128xf32, #tpu.memory_space<vmem_shared>>) target(%dma_start3A_9 : memref<640x128xf32, #tpu.memory_space<hbm>>) target_semaphore(%run_scoped3A : memref<!tpu.dma_semaphore, #tpu.memory_space<semaphore_mem>>)
      %dma_wait3A = arith.constant 0 : i32
      %dma_wait3A_12 = tpu.memref_slice %arg6[%arg0, %mul3A_2, %dma_wait3A] : memref<2x10240x128xf32, #tpu.memory_space<hbm>> -> memref<1x640x128xf32, #tpu.memory_space<hbm>>
      %dma_wait3A_13 = tpu.memref_squeeze %dma_wait3A_12 : memref<1x640x128xf32, #tpu.memory_space<hbm>> -> memref<640x128xf32, #tpu.memory_space<hbm>>
      %dma_wait3A_14 = arith.constant 0 : i32
      %dma_wait3A_15 = tpu.memref_slice %arg10[%mul3A_2, %dma_wait3A_14] : memref<10240x128xf32, #tpu.memory_space<vmem_shared>> -> memref<640x128xf32, #tpu.memory_space<vmem_shared>>
      tpu.wait_dma2 semaphore(%run_scoped3A : memref<!tpu.dma_semaphore, #tpu.memory_space<semaphore_mem>>) src(%dma_wait3A_15 : memref<640x128xf32, #tpu.memory_space<vmem_shared>>) dst(%dma_wait3A_13 : memref<640x128xf32, #tpu.memory_space<hbm>>)
      tpu.yield
    }) : () -> ()
    return
  }
}

#map = affine_map<(d0, d1) -> (0, 0)>
#map1 = affine_map<(d0, d1) -> (0)>
module attributes {stable_mosaic.version = 14 : i64} {
  func.func @k(%arg0: i32, %arg1: i32, %arg2: memref<10000x128xf32, #tpu.memory_space<hbm>>, %arg3: memref<2304xi32, #tpu.memory_space<hbm>>, %arg4: memref<2304x128xf32, #tpu.memory_space<hbm>>, %arg5: memref<72xi32, #tpu.memory_space<vmem>>, %arg6: memref<72x128xf32, #tpu.memory_space<vmem>>) attributes {dimension_semantics = [#tpu.dimension_semantics<core_parallel>, #tpu.dimension_semantics<subcore_parallel>], iteration_bounds = array<i64: 2, 16>, scalar_prefetch = 0 : i64, scratch_operands = 2 : i64, tpu.core_type = #tpu.core_type<sc_vector_subcore>, window_params = [{transform_indices = #map}, {transform_indices = #map1}, {transform_indices = #map}]} {
    %mul3A = arith.constant 16 : i32
    %mul3A_0 = arith.muli %arg0, %mul3A : i32
    %add3A = arith.addi %mul3A_0, %arg1 : i32
    %mul3A_1 = arith.constant 72 : i32
    %mul3A_2 = arith.muli %add3A, %mul3A_1 : i32
    "tpu.region"() ({
      %run_scoped3A = tpu.sem_alloc : memref<!tpu.dma_semaphore, #tpu.memory_space<semaphore_mem>>
      %dma_start3A = tpu.memref_slice %arg3[%mul3A_2] : memref<2304xi32, #tpu.memory_space<hbm>> -> memref<72xi32, #tpu.memory_space<hbm>>
      %dma_start3A_3 = tpu.memref_slice %arg3[%mul3A_2] : memref<2304xi32, #tpu.memory_space<hbm>> -> memref<72xi32, #tpu.memory_space<hbm>>
      tpu.enqueue_dma source(%dma_start3A_3 : memref<72xi32, #tpu.memory_space<hbm>>) target(%arg5 : memref<72xi32, #tpu.memory_space<vmem>>) target_semaphore(%run_scoped3A : memref<!tpu.dma_semaphore, #tpu.memory_space<semaphore_mem>>)
      %dma_wait3A = tpu.memref_slice %arg3[%mul3A_2] : memref<2304xi32, #tpu.memory_space<hbm>> -> memref<72xi32, #tpu.memory_space<hbm>>
      %dma_wait3A_4 = tpu.memref_slice %arg3[%mul3A_2] : memref<2304xi32, #tpu.memory_space<hbm>> -> memref<72xi32, #tpu.memory_space<hbm>>
      tpu.wait_dma2 semaphore(%run_scoped3A : memref<!tpu.dma_semaphore, #tpu.memory_space<semaphore_mem>>) src(%dma_wait3A_4 : memref<72xi32, #tpu.memory_space<hbm>>) dst(%arg5 : memref<72xi32, #tpu.memory_space<vmem>>)
      tpu.yield
    }) : () -> ()
    "tpu.region"() ({
      %run_scoped3A = tpu.sem_alloc : memref<!tpu.dma_semaphore, #tpu.memory_space<semaphore_mem>>
      %dma_start3A = arith.constant 0 : i32
      %dma_start3A_3 = arith.constant 0 : i32
      %dma_start3A_4 = tpu.memref_slice %arg2[%dma_start3A, %dma_start3A_3] : memref<10000x128xf32, #tpu.memory_space<hbm>> -> memref<10000x128xf32, #tpu.memory_space<hbm>>
      tpu.enqueue_indirect_dma source(%dma_start3A_4 : memref<10000x128xf32, #tpu.memory_space<hbm>>) target(%arg6 : memref<72x128xf32, #tpu.memory_space<vmem>>) offsets(%arg5 : memref<72xi32, #tpu.memory_space<vmem>>) semaphore(%run_scoped3A : memref<!tpu.dma_semaphore, #tpu.memory_space<semaphore_mem>>)
      %dma_wait3A = arith.constant 0 : i32
      %dma_wait3A_5 = arith.constant 0 : i32
      %dma_wait3A_6 = tpu.memref_slice %arg2[%dma_wait3A, %dma_wait3A_5] : memref<10000x128xf32, #tpu.memory_space<hbm>> -> memref<10000x128xf32, #tpu.memory_space<hbm>>
      tpu.wait_indirect_dma semaphore(%run_scoped3A : memref<!tpu.dma_semaphore, #tpu.memory_space<semaphore_mem>>) src(%dma_wait3A_6 : memref<10000x128xf32, #tpu.memory_space<hbm>>) dst(%arg6 : memref<72x128xf32, #tpu.memory_space<vmem>>)
      tpu.yield
    }) : () -> ()
    "tpu.region"() ({
      %run_scoped3A = tpu.sem_alloc : memref<!tpu.dma_semaphore, #tpu.memory_space<semaphore_mem>>
      %dma_start3A = arith.constant 0 : i32
      %dma_start3A_3 = tpu.memref_slice %arg4[%mul3A_2, %dma_start3A] : memref<2304x128xf32, #tpu.memory_space<hbm>> -> memref<72x128xf32, #tpu.memory_space<hbm>>
      %dma_start3A_4 = arith.constant 0 : i32
      %dma_start3A_5 = tpu.memref_slice %arg4[%mul3A_2, %dma_start3A_4] : memref<2304x128xf32, #tpu.memory_space<hbm>> -> memref<72x128xf32, #tpu.memory_space<hbm>>
      tpu.enqueue_dma source(%arg6 : memref<72x128xf32, #tpu.memory_space<vmem>>) target(%dma_start3A_5 : memref<72x128xf32, #tpu.memory_space<hbm>>) target_semaphore(%run_scoped3A : memref<!tpu.dma_semaphore, #tpu.memory_space<semaphore_mem>>)
      %dma_wait3A = arith.constant 0 : i32
      %dma_wait3A_6 = tpu.memref_slice %arg4[%mul3A_2, %dma_wait3A] : memref<2304x128xf32, #tpu.memory_space<hbm>> -> memref<72x128xf32, #tpu.memory_space<hbm>>
      %dma_wait3A_7 = arith.constant 0 : i32
      %dma_wait3A_8 = tpu.memref_slice %arg4[%mul3A_2, %dma_wait3A_7] : memref<2304x128xf32, #tpu.memory_space<hbm>> -> memref<72x128xf32, #tpu.memory_space<hbm>>
      tpu.wait_dma2 semaphore(%run_scoped3A : memref<!tpu.dma_semaphore, #tpu.memory_space<semaphore_mem>>) src(%arg6 : memref<72x128xf32, #tpu.memory_space<vmem>>) dst(%dma_wait3A_8 : memref<72x128xf32, #tpu.memory_space<hbm>>)
      tpu.yield
    }) : () -> ()
    return
  }
}

module attributes {stable_mosaic.version = 14 : i64} {
  func.func @body(%arg0: i32, %arg1: memref<1000x128xf32, #tpu.memory_space<vmem>>, %arg2: memref<2x1000x128xf32, #tpu.memory_space<vmem>>, %arg3: memref<128x128xf32, #tpu.memory_space<vmem>>, %arg4: memref<1x128xf32, #tpu.memory_space<vmem>>, %arg5: memref<128x128xf32, #tpu.memory_space<vmem>>, %arg6: memref<1x128xf32, #tpu.memory_space<vmem>>, %arg7: memref<1000x128xf32, #tpu.memory_space<vmem>>) attributes {dimension_semantics = [#tpu.dimension_semantics<arbitrary>], iteration_bounds = array<i64: 10>, scalar_prefetch = 0 : i64, scratch_operands = 0 : i64, tpu.core_type = #tpu.core_type<tc>, window_params = [{transform_indices = @transform_0, window_bounds = array<i64: 1000, 128>}, {transform_indices = @transform_1, window_bounds = array<i64: 2, 1000, 128>}, {pipeline_mode = #tpu.pipeline_mode<synchronous>, transform_indices = @transform_2, window_bounds = array<i64: 128, 128>}, {pipeline_mode = #tpu.pipeline_mode<synchronous>, transform_indices = @transform_3, window_bounds = array<i64: 1, 128>}, {pipeline_mode = #tpu.pipeline_mode<synchronous>, transform_indices = @transform_4, window_bounds = array<i64: 128, 128>}, {pipeline_mode = #tpu.pipeline_mode<synchronous>, transform_indices = @transform_5, window_bounds = array<i64: 1, 128>}, {transform_indices = @transform_6, window_bounds = array<i64: 1000, 128>}]} {
    %get3A = arith.constant 0 : index
    %get3A_0 = arith.constant 0 : index
    %get3A_1 = vector.load %arg1[%get3A, %get3A_0] : memref<1000x128xf32, #tpu.memory_space<vmem>>, vector<1000x128xf32>
    %get3A_2 = arith.constant 0 : index
    %get3A_3 = arith.constant 0 : index
    %get3A_4 = arith.constant 0 : index
    %get3A_5 = vector.load %arg2[%get3A_2, %get3A_3, %get3A_4] : memref<2x1000x128xf32, #tpu.memory_space<vmem>>, vector<1x1000x128xf32>
    %get3A_6 = vector.shape_cast %get3A_5 : vector<1x1000x128xf32> to vector<1000x128xf32>
    %add3A = arith.addf %get3A_1, %get3A_6 : vector<1000x128xf32>
    %get3A_7 = arith.constant 1 : index
    %get3A_8 = arith.constant 0 : index
    %get3A_9 = arith.constant 0 : index
    %get3A_10 = vector.load %arg2[%get3A_7, %get3A_8, %get3A_9] : memref<2x1000x128xf32, #tpu.memory_space<vmem>>, vector<1x1000x128xf32>
    %get3A_11 = vector.shape_cast %get3A_10 : vector<1x1000x128xf32> to vector<1000x128xf32>
    %add3A_12 = arith.addf %add3A, %get3A_11 : vector<1000x128xf32>
    %get3A_13 = arith.constant 0 : index
    %get3A_14 = arith.constant 0 : index
    %get3A_15 = vector.load %arg3[%get3A_13, %get3A_14] : memref<128x128xf32, #tpu.memory_space<vmem>>, vector<128x128xf32>
    %dot_general3A = arith.constant dense<0.000000e+00> : vector<1000x128xf32>
    %dot_general3A_16 = tpu.matmul %add3A_12, %get3A_15, %dot_general3A {dimension_numbers = #tpu.dot_dimension_numbers<[1], [0], [0], [1], [0, 0, 1, 1], [], []>, precision = #tpu.contract_precision<fp32>, transpose_lhs_hint = false} : vector<1000x128xf32>, vector<128x128xf32>, vector<1000x128xf32> -> vector<1000x128xf32>
    %get3A_17 = arith.constant 0 : index
    %get3A_18 = arith.constant 0 : index
    %get3A_19 = vector.load %arg4[%get3A_17, %get3A_18] : memref<1x128xf32, #tpu.memory_space<vmem>>, vector<1x128xf32>
    %add3A_20 = vector.broadcast %get3A_19 : vector<1x128xf32> to vector<1000x128xf32>
    %add3A_21 = arith.addf %dot_general3A_16, %add3A_20 : vector<1000x128xf32>
    %max3A = arith.constant 0.000000e+00 : f32
    %max3A_22 = vector.broadcast %max3A : f32 to vector<1000x128xf32>
    %max3A_23 = arith.maximumf %add3A_21, %max3A_22 : vector<1000x128xf32>
    %get3A_24 = arith.constant 0 : index
    %get3A_25 = arith.constant 0 : index
    %get3A_26 = vector.load %arg5[%get3A_24, %get3A_25] : memref<128x128xf32, #tpu.memory_space<vmem>>, vector<128x128xf32>
    %dot_general3A_27 = arith.constant dense<0.000000e+00> : vector<1000x128xf32>
    %dot_general3A_28 = tpu.matmul %max3A_23, %get3A_26, %dot_general3A_27 {dimension_numbers = #tpu.dot_dimension_numbers<[1], [0], [0], [1], [0, 0, 1, 1], [], []>, precision = #tpu.contract_precision<fp32>, transpose_lhs_hint = false} : vector<1000x128xf32>, vector<128x128xf32>, vector<1000x128xf32> -> vector<1000x128xf32>
    %get3A_29 = arith.constant 0 : index
    %get3A_30 = arith.constant 0 : index
    %get3A_31 = vector.load %arg6[%get3A_29, %get3A_30] : memref<1x128xf32, #tpu.memory_space<vmem>>, vector<1x128xf32>
    %add3A_32 = vector.broadcast %get3A_31 : vector<1x128xf32> to vector<1000x128xf32>
    %add3A_33 = arith.addf %dot_general3A_28, %add3A_32 : vector<1000x128xf32>
    %swap3A = arith.constant 0 : index
    %swap3A_34 = arith.constant 0 : index
    %swap3A_35 = vector.load %arg7[%swap3A, %swap3A_34] : memref<1000x128xf32, #tpu.memory_space<vmem>>, vector<1000x128xf32>
    tpu.vector_store %arg7[%swap3A, %swap3A_34], %add3A_33 {strides = array<i32>} : memref<1000x128xf32, #tpu.memory_space<vmem>>, vector<1000x128xf32>,
    return
  }
  func.func @transform_0(%arg0: i32) -> (i32, i32) {
    %c0_i32 = arith.constant 0 : i32
    %c0_i32_0 = arith.constant 0 : i32
    return %arg0, %c0_i32 : i32, i32
  }
  func.func @transform_1(%arg0: i32) -> (i32, i32, i32) {
    %c0_i32 = arith.constant 0 : i32
    %c0_i32_0 = arith.constant 0 : i32
    %c0_i32_1 = arith.constant 0 : i32
    return %c0_i32, %arg0, %c0_i32_0 : i32, i32, i32
  }
  func.func @transform_2(%arg0: i32) -> (i32, i32) {
    %c0_i32 = arith.constant 0 : i32
    %c0_i32_0 = arith.constant 0 : i32
    %c0_i32_1 = arith.constant 0 : i32
    return %c0_i32, %c0_i32_0 : i32, i32
  }
  func.func @transform_3(%arg0: i32) -> (i32, i32) {
    %c0_i32 = arith.constant 0 : i32
    %c0_i32_0 = arith.constant 0 : i32
    %c0_i32_1 = arith.constant 0 : i32
    return %c0_i32, %c0_i32_0 : i32, i32
  }
  func.func @transform_4(%arg0: i32) -> (i32, i32) {
    %c0_i32 = arith.constant 0 : i32
    %c0_i32_0 = arith.constant 0 : i32
    %c0_i32_1 = arith.constant 0 : i32
    return %c0_i32, %c0_i32_0 : i32, i32
  }
  func.func @transform_5(%arg0: i32) -> (i32, i32) {
    %c0_i32 = arith.constant 0 : i32
    %c0_i32_0 = arith.constant 0 : i32
    %c0_i32_1 = arith.constant 0 : i32
    return %c0_i32, %c0_i32_0 : i32, i32
  }
  func.func @transform_6(%arg0: i32) -> (i32, i32) {
    %c0_i32 = arith.constant 0 : i32
    %c0_i32_0 = arith.constant 0 : i32
    return %arg0, %c0_i32 : i32, i32
  }
}

module attributes {stable_mosaic.version = 14 : i64} {
  func.func @body(%arg0: memref<2304x128xf32, #tpu.memory_space<vmem>>, %arg1: memref<1x128xf32, #tpu.memory_space<vmem>>, %arg2: memref<1x128xf32, #tpu.memory_space<vmem>>, %arg3: memref<1x128xf32, #tpu.memory_space<vmem>>, %arg4: memref<128x128xf32, #tpu.memory_space<vmem>>, %arg5: memref<1x128xf32, #tpu.memory_space<vmem>>, %arg6: memref<640x128xf32, #tpu.memory_space<vmem>>, %arg7: memref<1x128xf32, #tpu.memory_space<vmem>>, %arg8: memref<1x128xf32, #tpu.memory_space<vmem>>, %arg9: memref<1024x1xf32, #tpu.memory_space<vmem>>) attributes {dimension_semantics = [], scalar_prefetch = 0 : i64, scratch_operands = 0 : i64, tpu.core_type = #tpu.core_type<tc>} {
    %get3A = arith.constant 0 : index
    %get3A_0 = arith.constant 0 : index
    %get3A_1 = vector.load %arg0[%get3A, %get3A_0] : memref<2304x128xf32, #tpu.memory_space<vmem>>, vector<1x128xf32>
    %get3A_2 = arith.constant 1 : index
    %get3A_3 = arith.constant 0 : index
    %get3A_4 = vector.load %arg0[%get3A_2, %get3A_3] : memref<2304x128xf32, #tpu.memory_space<vmem>>, vector<1x128xf32>
    %get3A_5 = arith.constant 0 : index
    %get3A_6 = arith.constant 0 : index
    %get3A_7 = vector.load %arg1[%get3A_5, %get3A_6] : memref<1x128xf32, #tpu.memory_space<vmem>>, vector<1x128xf32>
    %get3A_8 = arith.constant 0 : index
    %get3A_9 = arith.constant 0 : index
    %get3A_10 = vector.load %arg2[%get3A_8, %get3A_9] : memref<1x128xf32, #tpu.memory_space<vmem>>, vector<1x128xf32>
    %mul3A = arith.mulf %get3A_7, %get3A_10 : vector<1x128xf32>
    %get3A_11 = arith.constant 0 : index
    %get3A_12 = arith.constant 0 : index
    %get3A_13 = vector.load %arg3[%get3A_11, %get3A_12] : memref<1x128xf32, #tpu.memory_space<vmem>>, vector<1x128xf32>
    %add3A = arith.addf %mul3A, %get3A_13 : vector<1x128xf32>
    %max3A = arith.constant 0.000000e+00 : f32
    %max3A_14 = vector.broadcast %max3A : f32 to vector<1x128xf32>
    %max3A_15 = arith.maximumf %add3A, %max3A_14 : vector<1x128xf32>
    %get3A_16 = arith.constant 0 : index
    %get3A_17 = arith.constant 0 : index
    %get3A_18 = vector.load %arg4[%get3A_16, %get3A_17] : memref<128x128xf32, #tpu.memory_space<vmem>>, vector<128x128xf32>
    %dot_general3A = arith.constant dense<0.000000e+00> : vector<1x128xf32>
    %dot_general3A_19 = tpu.matmul %max3A_15, %get3A_18, %dot_general3A {dimension_numbers = #tpu.dot_dimension_numbers<[1], [0], [0], [1], [0, 0, 1, 1], [], []>, precision = #tpu.contract_precision<fp32>, transpose_lhs_hint = false} : vector<1x128xf32>, vector<128x128xf32>, vector<1x128xf32> -> vector<1x128xf32>
    %get3A_20 = arith.constant 0 : index
    %get3A_21 = arith.constant 0 : index
    %get3A_22 = vector.load %arg5[%get3A_20, %get3A_21] : memref<1x128xf32, #tpu.memory_space<vmem>>, vector<1x128xf32>
    %add3A_23 = arith.addf %dot_general3A_19, %get3A_22 : vector<1x128xf32>
    %add3A_24 = arith.addf %get3A_1, %get3A_4 : vector<1x128xf32>
    %get3A_25 = arith.constant 0 : index
    %get3A_26 = arith.constant 0 : index
    %get3A_27 = vector.load %arg6[%get3A_25, %get3A_26] : memref<640x128xf32, #tpu.memory_space<vmem>>, vector<128x128xf32>
    %dot_general3A_28 = arith.constant dense<0.000000e+00> : vector<1x128xf32>
    %dot_general3A_29 = tpu.matmul %add3A_24, %get3A_27, %dot_general3A_28 {dimension_numbers = #tpu.dot_dimension_numbers<[1], [0], [0], [1], [0, 0, 1, 1], [], []>, precision = #tpu.contract_precision<fp32>, transpose_lhs_hint = false} : vector<1x128xf32>, vector<128x128xf32>, vector<1x128xf32> -> vector<1x128xf32>
    %sub3A = arith.subf %get3A_1, %get3A_4 : vector<1x128xf32>
    %abs3A = math.absf %sub3A : vector<1x128xf32>
    %get3A_30 = arith.constant 128 : index
    %get3A_31 = arith.constant 0 : index
    %get3A_32 = vector.load %arg6[%get3A_30, %get3A_31] : memref<640x128xf32, #tpu.memory_space<vmem>>, vector<128x128xf32>
    %dot_general3A_33 = arith.constant dense<0.000000e+00> : vector<1x128xf32>
    %dot_general3A_34 = tpu.matmul %abs3A, %get3A_32, %dot_general3A_33 {dimension_numbers = #tpu.dot_dimension_numbers<[1], [0], [0], [1], [0, 0, 1, 1], [], []>, precision = #tpu.contract_precision<fp32>, transpose_lhs_hint = false} : vector<1x128xf32>, vector<128x128xf32>, vector<1x128xf32> -> vector<1x128xf32>
    %add3A_35 = arith.addf %dot_general3A_29, %dot_general3A_34 : vector<1x128xf32>
    %get3A_36 = arith.constant 512 : index
    %get3A_37 = arith.constant 0 : index
    %get3A_38 = vector.load %arg6[%get3A_36, %get3A_37] : memref<640x128xf32, #tpu.memory_space<vmem>>, vector<128x128xf32>
    %dot_general3A_39 = arith.constant dense<0.000000e+00> : vector<1x128xf32>
    %dot_general3A_40 = tpu.matmul %add3A_23, %get3A_38, %dot_general3A_39 {dimension_numbers = #tpu.dot_dimension_numbers<[1], [0], [0], [1], [0, 0, 1, 1], [], []>, precision = #tpu.contract_precision<fp32>, transpose_lhs_hint = false} : vector<1x128xf32>, vector<128x128xf32>, vector<1x128xf32> -> vector<1x128xf32>
    %add3A_41 = arith.addf %add3A_35, %dot_general3A_40 : vector<1x128xf32>
    %get3A_42 = arith.constant 0 : index
    %get3A_43 = arith.constant 0 : index
    %get3A_44 = vector.load %arg7[%get3A_42, %get3A_43] : memref<1x128xf32, #tpu.memory_space<vmem>>, vector<1x128xf32>
    %add3A_45 = arith.addf %add3A_41, %get3A_44 : vector<1x128xf32>
    %get3A_46 = arith.constant 2 : index
    %get3A_47 = arith.constant 0 : index
    %get3A_48 = vector.load %arg0[%get3A_46, %get3A_47] : memref<2304x128xf32, #tpu.memory_space<vmem>>, vector<1024x128xf32>
    %get3A_49 = arith.constant 1026 : index
    %get3A_50 = arith.constant 0 : index
    %get3A_51 = vector.load %arg0[%get3A_49, %get3A_50] : memref<2304x128xf32, #tpu.memory_space<vmem>>, vector<1024x128xf32>
    %add3A_52 = arith.addf %get3A_48, %get3A_51 : vector<1024x128xf32>
    %get3A_53 = arith.constant 256 : index
    %get3A_54 = arith.constant 0 : index
    %get3A_55 = vector.load %arg6[%get3A_53, %get3A_54] : memref<640x128xf32, #tpu.memory_space<vmem>>, vector<128x128xf32>
    %dot_general3A_56 = arith.constant dense<0.000000e+00> : vector<1024x128xf32>
    %dot_general3A_57 = tpu.matmul %add3A_52, %get3A_55, %dot_general3A_56 {dimension_numbers = #tpu.dot_dimension_numbers<[1], [0], [0], [1], [0, 0, 1, 1], [], []>, precision = #tpu.contract_precision<fp32>, transpose_lhs_hint = false} : vector<1024x128xf32>, vector<128x128xf32>, vector<1024x128xf32> -> vector<1024x128xf32>
    %sub3A_58 = arith.subf %get3A_48, %get3A_51 : vector<1024x128xf32>
    %abs3A_59 = math.absf %sub3A_58 : vector<1024x128xf32>
    %get3A_60 = arith.constant 384 : index
    %get3A_61 = arith.constant 0 : index
    %get3A_62 = vector.load %arg6[%get3A_60, %get3A_61] : memref<640x128xf32, #tpu.memory_space<vmem>>, vector<128x128xf32>
    %dot_general3A_63 = arith.constant dense<0.000000e+00> : vector<1024x128xf32>
    %dot_general3A_64 = tpu.matmul %abs3A_59, %get3A_62, %dot_general3A_63 {dimension_numbers = #tpu.dot_dimension_numbers<[1], [0], [0], [1], [0, 0, 1, 1], [], []>, precision = #tpu.contract_precision<fp32>, transpose_lhs_hint = false} : vector<1024x128xf32>, vector<128x128xf32>, vector<1024x128xf32> -> vector<1024x128xf32>
    %add3A_65 = arith.addf %dot_general3A_57, %dot_general3A_64 : vector<1024x128xf32>
    %add3A_66 = vector.broadcast %add3A_45 : vector<1x128xf32> to vector<1024x128xf32>
    %add3A_67 = arith.addf %add3A_65, %add3A_66 : vector<1024x128xf32>
    %max3A_68 = arith.constant 0.000000e+00 : f32
    %max3A_69 = vector.broadcast %max3A_68 : f32 to vector<1024x128xf32>
    %max3A_70 = arith.maximumf %add3A_67, %max3A_69 : vector<1024x128xf32>
    %get3A_71 = arith.constant 0 : index
    %get3A_72 = arith.constant 0 : index
    %get3A_73 = vector.load %arg8[%get3A_71, %get3A_72] : memref<1x128xf32, #tpu.memory_space<vmem>>, vector<1x128xf32>
    %mul3A_74 = vector.broadcast %get3A_73 : vector<1x128xf32> to vector<1024x128xf32>
    %mul3A_75 = arith.mulf %max3A_70, %mul3A_74 : vector<1024x128xf32>
    %reduce_sum3A = arith.constant dense<0.000000e+00> : vector<1024xf32>
    %reduce_sum3A_76 = vector.multi_reduction <add>, %mul3A_75, %reduce_sum3A [1] : vector<1024x128xf32> to vector<1024xf32>
    %broadcast_in_dim3A = vector.shape_cast %reduce_sum3A_76 : vector<1024xf32> to vector<1024x1xf32>
    %swap3A = arith.constant 0 : index
    %swap3A_77 = arith.constant 0 : index
    %swap3A_78 = vector.load %arg9[%swap3A, %swap3A_77] : memref<1024x1xf32, #tpu.memory_space<vmem>>, vector<1024x1xf32>
    tpu.vector_store %arg9[%swap3A, %swap3A_77], %broadcast_in_dim3A {strides = array<i32>} : memref<1024x1xf32, #tpu.memory_space<vmem>>, vector<1024x1xf32>,
    return
  }
}

</mosaic_0001>

<sc_bundles>
// kernel: kernel.11.cloned.1.call-start
scs
__scs_entry_jumppad:
0x0: {  	(pc) =	sbr.rel $0x88, $3  }
0x1: {  	(tag) =	ssettag $0x0;
	lr =	simm.s32 $0x1  }
0x2: {  	[smem:$0x3F8C] =	sst lr;
	_ =	strace $0xD0000000  }
0x3: {  	_ = 	snop  }
0x4: {  	_ = 	snop  }
0x5: {  	_ = 	snop  }
0x6: {  	_ = 	snop  }
0x7: {  	_ = 	snop  }
__scs_overlays_trampoline_lowered:
0x8: {  	[smem:$0x3F9B] =	sst s0  }
0x9: {  	[smem:$0x3F9C] =	sst s1  }
0xa: {  	[smem:$0x3F9D] =	sst s2  }
0xb: {  	[smem:$0x3F9E] =	sst s3  }
0xc: {  	[smem:$0x3F9F] =	sst s4  }
0xd: {  	[smem:$0x3FA0] =	sst s5  }
0xe: {  	[smem:$0x3FA1] =	sst s6  }
0xf: {  	[smem:$0x3FA2] =	sst s7  }
0x10: {  	[smem:$0x3FA3] =	sst s8  }
0x11: {  	[smem:$0x3FA4] =	sst s9;
	s0 =	simm.s32 @!p0 $0x0  }
0x12: {  	s1 =	sld [smem:$0x3F8A];
	s0 =	simm.s32 @p0 $0x1  }
0x13: {  	[smem:$0x3FA5] =	sst s0;
	s0 =	simm.s32 @!p1 $0x0  }
0x14: {  	s2 =	sld [smem:$0x3F89];
	s0 =	simm.s32 @p1 $0x1  }
0x15: {  	[smem:$0x3FA6] =	sst s0;
	s0 =	simm.s32 @!p2 $0x0  }
0x16: {  	s3 =	sld [smem:$0x3FDB];
	s0 =	simm.s32 @p2 $0x1  }
0x17: {  	s4 =	simm.s32 $0x1BF5;
	[smem:$0x3FA8] =	sst s0  }
0x18: {  	s0 =	sld [smem:$0x3F8B];
	_ =	swait.ge [sflag:s4], $0x0  }
0x19: {  	s7 =	sld [smem:$0x3F8C]  }
0x1a: {  	s8 =	sadd.s32 $0xFFFFE003, lr  }
0x1b: {  	s9 =	sadd.s32 $0xFFFFFEF7, lr;
	s5 =	simm.s32 $0xFFFFFFFF;
	p2 =	slt.u32 s8, $0xFFFFF086  }
0x1c: {  	p1 =	slt.u32 s9, $0xF7A;
	s5 =	simm.s32 @!p2 $0x0  }
0x1d: {  	s5 =	simm.s32 @p1 $0x1;
	p0 =	seq.s32 s7, s2  }
0x1e: {  	s7 =	smul.u32 @!p0 $0xF7A, s2;
	p2 =	seq.s32 @!p0 s5, $0x0  }
0x1f: {  	s9 =	smul.u32 $0xF7A, s1;
	s8 =	simm.s32 @!p0 $0x1BF5;
	p2 =	por !p2, p0  }
0x20: {  	[sflag:s8] =	ssyncset.s32 @!p0 $0xFFFFF086;
	s6 =	sadd.s32 @!p0 s3, s7;
	s7 =	simm.s32 @!p0 $0x108  }
0x21: {  	s3 =	sadd.s32 s3, s9;
	s6 =	sadd.s32 @!p0 $0x88, s6;
	s7 =	simm.s32 @p2 $0x1082  }
0x22: {  	[simem:s7], [sflag:s8] =	dma.local @!p0 [hbm:s6], $0xF7A  }
0x23: {  	s9 =	sor.u32 $0xD0000000, s2;
	s6 =	simm.s32 $0x108;
	_ =	swait.ge @!p0 [sflag:s8], $0x0  }
0x24: {  	s3 =	sadd.s32 $0x88, s3;
	s6 =	simm.s32 @!p1 $0x1082;
	[sflag:s4] =	ssyncset.s32 $0xFFFFF086  }
0x25: {  	[simem:s6], [sflag:s4] =	dma.local [hbm:s3], $0xF7A  }
0x26: {  	[smem:$0x3F8C] =	sst s1;
	(tag) =	ssettag s2;
	_ =	strace s9  }
0x27: {  	s1 =	sld [smem:$0x3F9C]  }
0x28: {  	s2 =	sld [smem:$0x3F9D]  }
0x29: {  	s4 =	sld [smem:$0x3F9F]  }
0x2a: {  	p0 =	seq.s32 s5, $0x0;
	s5 =	sld [smem:$0x3FA0]  }
0x2b: {  	s6 =	sld [smem:$0x3FA1]  }
0x2c: {  	s7 =	sld [smem:$0x3FA2]  }
0x2d: {  	s3 =	simm.s32 $0x108;
	s8 =	sld [smem:$0x3FA3]  }
0x2e: {  	s3 =	simm.s32 @!p0 $0x1082;
	s9 =	sld [smem:$0x3FA4]  }
0x2f: {  	lr =	sadd.s32 s0, s3;
	s0 =	sld [smem:$0x3F9B]  }
0x30: {  	s3 =	sld [smem:$0x3F9E]  }
0x31: {  	[smem:$0x3FA7] =	sst s10  }
0x32: {  	s10 =	sld [smem:$0x3FA5];
	_ =	sdelay $0x3  }
0x33: {  	p0 =	seq.s32 s10, $0x1;
	s10 =	sld [smem:$0x3FA7];
	_ =	sdelay $0x3  }
0x34: {  	[smem:$0x3FA7] =	sst s10  }
0x35: {  	s10 =	sld [smem:$0x3FA6];
	_ =	sdelay $0x3  }
0x36: {  	p1 =	seq.s32 s10, $0x1;
	s10 =	sld [smem:$0x3FA7];
	_ =	sdelay $0x3  }
0x37: {  	[smem:$0x3FA7] =	sst s10  }
0x38: {  	s10 =	sld [smem:$0x3FA8]  }
0x39: {  	_ = 	snop;
	(pc) =	sbr.ind lr, $3  }
0x3a: {  	_ = 	snop  }
0x3b: {  	_ = 	snop  }
0x3c: {  	p2 =	seq.s32 s10, $0x1;
	s10 =	sld [smem:$0x3FA7]  }
0x3d: {  	_ =	shalt  }
0x3e: {  	_ =	shalt  }
0x3f: {  	_ =	shalt  }
0x40: {  	_ =	shalt  }
0x41: {  	_ =	shalt  }
0x42: {  	_ =	shalt  }
0x43: {  	_ =	shalt  }
0x44: {  	_ =	shalt  }
0x45: {  	_ =	shalt  }
0x46: {  	_ =	shalt  }
0x47: {  	_ =	shalt  }
0x48: {  	_ =	shalt  }
0x49: {  	_ =	shalt  }
0x4a: {  	_ =	shalt  }
0x4b: {  	_ =	shalt  }
0x4c: {  	_ =	shalt  }
0x4d: {  	_ =	shalt  }
0x4e: {  	_ =	shalt  }
0x4f: {  	_ =	shalt  }
0x50: {  	_ =	shalt  }
0x51: {  	_ =	shalt  }
0x52: {  	_ =	shalt  }
0x53: {  	_ =	shalt  }
0x54: {  	_ =	shalt  }
0x55: {  	_ =	shalt  }
0x56: {  	_ =	shalt  }
0x57: {  	_ =	shalt  }
0x58: {  	_ =	shalt  }
0x59: {  	_ =	shalt  }
0x5a: {  	_ =	shalt  }
0x5b: {  	_ =	shalt  }
0x5c: {  	_ =	shalt  }
0x5d: {  	_ =	shalt  }
0x5e: {  	_ =	shalt  }
0x5f: {  	_ =	shalt  }
0x60: {  	_ =	shalt  }
0x61: {  	_ =	shalt  }
0x62: {  	_ =	shalt  }
0x63: {  	_ =	shalt  }
0x64: {  	_ =	shalt  }
0x65: {  	_ =	shalt  }
0x66: {  	_ =	shalt  }
0x67: {  	_ =	shalt  }
0x68: {  	_ =	shalt  }
0x69: {  	_ =	shalt  }
0x6a: {  	_ =	shalt  }
0x6b: {  	_ =	shalt  }
0x6c: {  	_ =	shalt  }
0x6d: {  	_ =	shalt  }
0x6e: {  	_ =	shalt  }
0x6f: {  	_ =	shalt  }
0x70: {  	_ =	shalt  }
0x71: {  	_ =	shalt  }
0x72: {  	_ =	shalt  }
0x73: {  	_ =	shalt  }
0x74: {  	_ =	shalt  }
0x75: {  	_ =	shalt  }
0x76: {  	_ =	shalt  }
0x77: {  	_ =	shalt  }
0x78: {  	_ =	shalt  }
0x79: {  	_ =	shalt  }
0x7a: {  	_ =	shalt  }
0x7b: {  	_ =	shalt  }
0x7c: {  	_ =	shalt  }
0x7d: {  	_ =	shalt  }
0x7e: {  	_ =	shalt  }
0x7f: {  	_ =	shalt  }
0x80: {  	_ =	shalt  }
0x81: {  	_ =	shalt  }
0x82: {  	_ =	shalt  }
0x83: {  	_ =	shalt  }
0x84: {  	_ =	shalt  }
0x85: {  	_ =	shalt  }
0x86: {  	_ =	shalt  }
0x87: {  	_ =	shalt  }
.Lfunc_end0:
.L_simem_size_0:
called_computation.1_lowered:
.L_overlay_start_0:
0x88: {  	s2 =	sld [smem:$0x3FD9]  }
0x89: {  	s3 =	sld [smem:$0x3FFE];
	_ =	sdelay $0x1  }
0x8a: {  	s1 =	srdreg.scid  }
0x8b: {  	s0 =	sand.u32 $0x1, s1  }
0x8c: {  	s16 =	sshll.u32 s0, $0xA;
	s2 =	sadd.s32 s3, s2  }
0x8d: {  	s2 =	sadd.s32 s2, s16  }
0x8e: {  	[smem:$0x3FB3] =	sst s2  }
0x8f: {  	_ = 	snop  }
0x90: {  	(tm) =	ssettm $0x1  }
0x91: {  	s17 =	sld [smem:$0x3FFB];
	_ =	sdelay $0x3  }
0x92: {  	_ =	strace s17  }
0x93: {  	s2 =	sld [smem:$0x3FFC];
	_ =	sdelay $0x3  }
0x94: {  	_ =	strace s2  }
0x95: {  	s2 =	sld [smem:$0x3FFD];
	_ =	sdelay $0x3  }
0x96: {  	_ =	strace s2  }
0x97: {  	_ =	strace $0x8FFFFFFF  }
0x98: {  	s18 =	sld [smem:$0x3FDB];
	_ =	sdelay $0x1  }
0x99: {  	s19 =	simm.s32 $_scs_section_size  }
0x9a: {  	s4 =	simm.s32 $_size__tile_overlayer_lowered;
	s5 =	simm.s32 $_tile_overlayer_lowered  }
0x9b: {  	s22 =	simm.s32 $0x1BFF;
	s21 =	sshll.u32 s5, $0x1;
	s2 =	sadd.s32 s19, s18  }
0x9c: {  	s6 =	simm.s32 $0x0;
	s20 =	sshll.u32 s4, $0x1;
	s4 =	sadd.s32 s21, s2  }
0x9d: {  	[timem:s6], [sflag:s22] =	dma.local [hbm:s4], s20  }
0x9e: {  	_ =	swait.ge [sflag:s22], s20  }
0x9f: {  	s3 =	ssub.s32 $0x0, s20;
	[sflag:s22] =	ssyncset.done $0x0  }
0xa0: {  	[sflag:s22] =	ssyncadd.s32 s3;
	_ =	sdelay $0x1  }
0xa1: {  	s23 =	simm.s32 $0x1B8B  }
0xa2: {  	_ =	swait.ge [sflag:s23], $0x1  }
0xa3: {  	[sflag:s23] =	ssyncset.done $0x0  }
0xa4: {  	s25 =	simm.s32 $0x1B8E;
	s24 =	sld [smem:$0x3FFE];
	[sflag:s23] =	ssyncadd.s32 $0xFFFFFFFF  }
0xa5: {  	s26 =	simm.s32 $execute0_lowered;
	[smem:$0x3FD2] =	sst s25  }
0xa6: {  	s4 =	sshll.u32 s26, $0x1;
	_ =	strace $0x80000049;
	[dreg:$0x1] =	wrdreg $0xFFFFFFFF  }
0xa7: {  	s28 =	simm.s32 $_size_execute0_lowered;
	s2 =	sadd.s32 s2, s4;
	[dreg:$0x0] =	wrdreg $0x0  }
0xa8: {  	s4 =	sshll.u32 s28, $0x1;
	[dreg:$0x2] =	wrdreg s2  }
0xa9: {  	[dreg:$0x3] =	wrdreg s4  }
0xaa: {  	[dreg:$0x4] =	wrdreg $0xC0  }
0xab: {  	_ =	task [dreg:s6], $0x5FFFF  }
0xac: {  	[dreg:$0x1] =	wrdreg $0xFFFFFFFF  }
0xad: {  	[dreg:$0x0] =	wrdreg $0x60  }
0xae: {  	[dreg:$0x2] =	wrdreg s24  }
0xaf: {  	[dreg:$0x3] =	wrdreg $0xA8000  }
0xb0: {  	[dreg:$0x4] =	wrdreg $0x9  }
0xb1: {  	_ =	task.clear_ibuf [dreg:s6], $0x5FFFF;
	_ =	strace $0x90000049  }
0xb2: {  	s29 =	simm.s32 $0x9;
	_ =	strace $0x8000004B  }
0xb3: {  	_ =	swait.ge [sflag:s29], $0x1  }
0xb4: {  	[sflag:s29] =	ssyncadd.s32 $0xFFFFFFFF  }
0xb5: {  	_ =	strace $0x9000004B  }
0xb6: {  	_ =	sfence  }
0xb7: {  	s30 =	sld [smem:$0x0];
	_ =	sdelay $0x2  }
0xb8: {  	s31 =	sshll.u32 s1, $0xD;
	s1 =	sshrl.u32 s1, $0x2  }
0xb9: {  	s3 =	sand.u32 $0x4000, s31;
	s1 =	sadd.s32 s1, s30  }
0xba: {  	s0 =	sor.u32 s3, s0;
	s1 =	sshll.u32 s1, $0x11  }
0xbb: {  	s0 =	sor.u32 s1, s0  }
0xbc: {  	s0 =	sadd.s32 $0x8F2B, s0  }
0xbd: {  	[sflag:s0] =	ssyncadd.remote.s32 $0x1  }
0xbe: {  	_ =	sfence.sel $0xFFFF  }
0xbf: {  	[dreg:$0x0] =	wrdreg $0xFFFFFFFF;
	(pc) =	sbr.abs _section_cstart, $3  }
0xc0: {  	[dreg:$0x1] =	wrdreg $0xFFFFFFFF  }
0xc1: {  	_ =	task.clear_ibuf [dreg:s6], $0x2FFFF;
	_ =	strace $0x9FFFFFFF  }
0xc2: {  	(tm) =	ssettm $0x7FFFFFFF  }
0xc3: {  	_ =	shalt  }
tec
execute0_lowered:
.L_overlay_start_1:
0x0: {  	(tag) =	ssettag $0x1  }
0x1: {  	s5 =	rddreg [dreg:$0x0]  }
0x2: {  	s2 =	rddreg [dreg:$0x1]  }
0x3: {  	s0 =	rddreg [dreg:$0x2];
	s4 =	srdreg.scid  }
0x4: {  	s3 =	simm.s32 $0x0;
	s1 =	stileid.u32;
	s14 =	simm.s32 $0x50  }
0x5: {  	s15 =	simm.s32 $0x8000;
	s16 =	simm.s32 $0x0;
	s6 =	sand.u32 $0x1, s4  }
0x6: {  	s7 =	sshll.u32 s1, $0xB;
	s8 =	smul.u32 $0x14000, s1;
	[smem:$0x7FF] =	sst s3  }
0x7: {  	s28 =	smul.u32 $0x50000, s1;
	s31 =	sshll.u32 s1, $0x6;
	s4 =	sshll.u32 s6, $0xF  }
0x8: {  	s9 =	smul.u32 $0x140000, s6;
	_ =	strace $0x8000004A;
	s6 =	ssub.s32 $0x2, s6  }
0x9: {  	s7 =	sor.u32 s7, s4;
	s4 =	sadd.s32 $0x4B600, s5;
	s26 =	sshrl.u32 s8, $0x3  }
0xa: {  	s29 =	sshrl.u32 s6, $0x1;
	s30 =	sshrl.u32 s28, $0x2;
	s10 =	sadd.s32 s7, s5  }
0xb: {  	s8 =	sadd.s32 s8, s9;
	s7 =	sadd.s32 s26, s5;
	s12 =	ssub.s32 s6, s29  }
0xc: {  	s13 =	sadd.s32 s30, s2;
	s6 =	sor.u32 $0x1C01, s31;
	s8 =	sshrl.u32 s8, $0x3  }
0xd: {  	s11 =	sadd.s32 s8, s5;
	s5 =	sadd.s32 $0x23600, s7;
	s7 =	sadd.s32 $0x3600, s10  }
0xe: {  	s8 =	sadd.s32 $0x13600, s10;
	s10 =	smax.u32 s12, $0x1;
	s12 =	simm.s32 $0x1  }
0xf: {  	s9 =	sadd.s32 $0x72800, s11;
	s11 =	sshrl.u32 s13, $0x3;
	s13 =	simm.s32 $0x4000  }
.LBB2_1:
0x10: {  	[spmem:s11], [sflag:s6] =	dma.local [hbm:s5], $0x2800  }
0x11: {  	_ =	swait.ge [sflag:s12], $0x2800  }
0x12: {  	[sflag:s12] =	ssyncset.done $0x0  }
0x13: {  	[sflag:s12] =	ssyncadd.s32 $0xFFFFD800  }
0x14: {  	[tilespmem:s3], [sflag:$0x1] =	stream.linear.gather [hbm4b:s7+s3], $0x3E80, $0x38;
	[tilespmem:$0x1E800] =	vst v63  }
0x15: {  	_ =	swait.ge [sflag:s12], $0x3E80  }
0x16: {  	[sflag:s12] =	ssyncset.done $0x0  }
0x17: {  	[sflag:s12] =	ssyncadd.s32 $0xFFFFC180  }
0x18: {  	[tilespmem:s13], [sflag:$0x1] =	stream.linear.gather [hbm4b:s8+s3], $0x3E80, $0x38;
	[tilespmem:$0x1E800] =	vst v63  }
0x19: {  	_ =	swait.ge [sflag:s12], $0x3E80  }
0x1a: {  	[sflag:s12] =	ssyncset.done $0x0  }
0x1b: {  	[sflag:s12] =	ssyncadd.s32 $0xFFFFC180  }
0x1c: {  	s17 =	simm.s32 $0x0;
	[bflag:$0x0] =	sbarrier.arrive $0xFFFF  }
0x1d: {  	[tilespmem:s15], [sflag:$0x1] =	stream.indirect.gather [hbm4b:s4+s14], $0x80, s17, s14, $0xb8;
	[tilespmem:$0x1E800] =	vst v63  }
0x1e: {  	_ =	swait.ge [sflag:s12], $0x2800  }
0x1f: {  	[sflag:s12] =	ssyncset.done $0x0  }
0x20: {  	s31 =	simm.s32 $0x4000;
	[sflag:s12] =	ssyncadd.s32 $0xFFFFD800  }
0x21: {  	[spmem:s2] =	stream.indirect.scatter.add.f32 [tilespmem:s15], [sflag:$0x1], $0x80, s31, s14, $0xb8;
	[tilespmem:$0x1E800] =	vst v63  }
0x22: {  	_ =	swait.ge [sflag:s12], $0x2800  }
0x23: {  	s18 =	simm.s32 $0x400;
	s17 =	simm.s32 $0x200;
	[sflag:s12] =	ssyncset.done $0x0  }
.LBB2_2:
0x24: {  	s19 =	sshra.s32 s17, $0x2  }
0x25: {  	[sflag:s12] =	ssyncadd.s32 $0xFFFFD800;
	s17 =	smov.u32 s18;
	s20 =	sadd.s32 $0x200, s18  }
0x26: {  	[tilespmem:s15], [sflag:$0x1] =	stream.indirect.gather [hbm4b:s4+s14], $0x80, s19, s14, $0xb8;
	[tilespmem:$0x1E800] =	vst v63  }
0x27: {  	p0 =	sne.s32 s18, $0xF800;
	_ =	swait.ge [sflag:s12], $0x2800  }
.Ltmp0:
0x28: {  	[sflag:s12] =	ssyncset.done $0x0;
	(pc) =	sbr.rel @p0 .LBB2_2-.Ltmp0, $4  }
0x29: {  	s18 =	sadd.s32 $0x4000, s19;
	[sflag:s12] =	ssyncadd.s32 $0xFFFFD800  }
0x2a: {  	[spmem:s2] =	stream.indirect.scatter.add.f32 [tilespmem:s15], [sflag:$0x1], $0x80, s18, s14, $0xb8;
	[tilespmem:$0x1E800] =	vst v63  }
0x2b: {  	_ =	swait.ge [sflag:s12], $0x2800  }
0x2c: {  	s18 =	smov.u32 s20;
	[sflag:s12] =	ssyncset.done $0x0  }
0x2d: {  	s17 =	sshra.s32 s17, $0x2;
	[sflag:s12] =	ssyncadd.s32 $0xFFFFD800  }
0x2e: {  	[tilespmem:s15], [sflag:$0x1] =	stream.indirect.gather [hbm4b:s4+s14], $0x80, s17, s14, $0xb8;
	[tilespmem:$0x1E800] =	vst v63  }
0x2f: {  	_ =	swait.ge [sflag:s12], $0x2800  }
0x30: {  	[sflag:s12] =	ssyncset.done $0x0  }
0x31: {  	s17 =	sadd.s32 $0x4000, s17;
	[sflag:s12] =	ssyncadd.s32 $0xFFFFD800  }
0x32: {  	[spmem:s2] =	stream.indirect.scatter.add.f32 [tilespmem:s15], [sflag:$0x1], $0x80, s17, s14, $0xb8;
	[tilespmem:$0x1E800] =	vst v63  }
0x33: {  	_ =	swait.ge [sflag:s12], $0x2800  }
0x34: {  	s16 =	sadd.s32 $0x1, s16;
	[sflag:s12] =	ssyncset.done $0x0  }
0x35: {  	p0 =	sne.s32 s16, s10;
	[sflag:s12] =	ssyncadd.s32 $0xFFFFD800  }
.Ltmp1:
0x36: {  	[bflag:$0x0] =	sbarrier.arrive $0xFFFF;
	(pc) =	sbr.rel @p0 .LBB2_1-.Ltmp1, $4  }
0x37: {  	[hbm:s9], [sflag:s6] =	dma.local [spmem:s11], $0x2800  }
0x38: {  	_ =	swait.ge [sflag:s12], $0x2800  }
0x39: {  	[sflag:s12] =	ssyncset.done $0x0  }
0x3a: {  	[sflag:s12] =	ssyncadd.s32 $0xFFFFD800  }
0x3b: {  	_ =	sfence.sel $0x180000  }
0x3c: {  	[bflag:$0x0] =	sbarrier.arrive $0xFFFF  }
0x3d: {  	p0 =	sne.s32 s1, $0x0;
	_ =	strace $0x9000004A  }
0x3e: {  	s0 =	sadd.s32 @!p0 $0x100000, s0;
	[bflag:$0x2] =	sbarrier.arrive $0xFFFF  }
0x3f: {  	[sflag:s0] =	ssyncadd.tile.s32 @!p0 $0x1;
	_ =	shalt  }
.Lfunc_end2:
_tile_overlayer_lowered:
.L_overlay_start_2:
0x40: {  	(tag) =	ssettag $0x2  }
0x41: {  	s0 =	rddreg [dreg:$0x0];
	s2 =	stileid.u32  }
0x42: {  	s1 =	rddreg [dreg:$0x1];
	p0 =	sne.s32 s2, $0x0  }
0x43: {  	s3 =	rddreg [dreg:$0x2];
	[bflag:$0x3] =	sbarrier.arrive $0xFFFF;
	s2 =	simm.s32 @!p0 $0x1C01  }
0x44: {  	[timem:s3], [sflag:s2] =	dma.local @!p0 [hbm:s0], s1  }
0x45: {  	s0 =	simm.s32 @!p0 $0x1  }
0x46: {  	_ =	swait.ge @!p0 [sflag:s0], s1  }
0x47: {  	s1 =	ssub.s32 @!p0 $0x0, s1;
	[sflag:s0] =	ssyncset.done @!p0 $0x0  }
0x48: {  	[sflag:s0] =	ssyncadd.s32 @!p0 s1  }
0x49: {  	[bflag:$0x3] =	sbarrier.arrive $0xFFFF  }
0x4a: {  	_ =	shalt  }

// kernel: kernel.14.cloned.1.call-start
scs
__scs_entry_jumppad:
0x0: {  	(pc) =	sbr.rel $0x88, $3  }
0x1: {  	(tag) =	ssettag $0x0;
	lr =	simm.s32 $0x1  }
0x2: {  	[smem:$0x3F8C] =	sst lr;
	_ =	strace $0xD0000000  }
0x3: {  	_ = 	snop  }
0x4: {  	_ = 	snop  }
0x5: {  	_ = 	snop  }
0x6: {  	_ = 	snop  }
0x7: {  	_ = 	snop  }
__scs_overlays_trampoline_lowered:
0x8: {  	[smem:$0x3F9B] =	sst s0  }
0x9: {  	[smem:$0x3F9C] =	sst s1  }
0xa: {  	[smem:$0x3F9D] =	sst s2  }
0xb: {  	[smem:$0x3F9E] =	sst s3  }
0xc: {  	[smem:$0x3F9F] =	sst s4  }
0xd: {  	[smem:$0x3FA0] =	sst s5  }
0xe: {  	[smem:$0x3FA1] =	sst s6  }
0xf: {  	[smem:$0x3FA2] =	sst s7  }
0x10: {  	[smem:$0x3FA3] =	sst s8  }
0x11: {  	[smem:$0x3FA4] =	sst s9;
	s0 =	simm.s32 @!p0 $0x0  }
0x12: {  	s1 =	sld [smem:$0x3F8A];
	s0 =	simm.s32 @p0 $0x1  }
0x13: {  	[smem:$0x3FA5] =	sst s0;
	s0 =	simm.s32 @!p1 $0x0  }
0x14: {  	s2 =	sld [smem:$0x3F89];
	s0 =	simm.s32 @p1 $0x1  }
0x15: {  	[smem:$0x3FA6] =	sst s0;
	s0 =	simm.s32 @!p2 $0x0  }
0x16: {  	s3 =	sld [smem:$0x3FDB];
	s0 =	simm.s32 @p2 $0x1  }
0x17: {  	s4 =	simm.s32 $0x1BF5;
	[smem:$0x3FA8] =	sst s0  }
0x18: {  	s0 =	sld [smem:$0x3F8B];
	_ =	swait.ge [sflag:s4], $0x0  }
0x19: {  	s7 =	sld [smem:$0x3F8C]  }
0x1a: {  	s8 =	sadd.s32 $0xFFFFE003, lr  }
0x1b: {  	s9 =	sadd.s32 $0xFFFFFEF7, lr;
	s5 =	simm.s32 $0xFFFFFFFF;
	p2 =	slt.u32 s8, $0xFFFFF086  }
0x1c: {  	p1 =	slt.u32 s9, $0xF7A;
	s5 =	simm.s32 @!p2 $0x0  }
0x1d: {  	s5 =	simm.s32 @p1 $0x1;
	p0 =	seq.s32 s7, s2  }
0x1e: {  	s7 =	smul.u32 @!p0 $0xF7A, s2;
	p2 =	seq.s32 @!p0 s5, $0x0  }
0x1f: {  	s9 =	smul.u32 $0xF7A, s1;
	s8 =	simm.s32 @!p0 $0x1BF5;
	p2 =	por !p2, p0  }
0x20: {  	[sflag:s8] =	ssyncset.s32 @!p0 $0xFFFFF086;
	s6 =	sadd.s32 @!p0 s3, s7;
	s7 =	simm.s32 @!p0 $0x108  }
0x21: {  	s3 =	sadd.s32 s3, s9;
	s6 =	sadd.s32 @!p0 $0x88, s6;
	s7 =	simm.s32 @p2 $0x1082  }
0x22: {  	[simem:s7], [sflag:s8] =	dma.local @!p0 [hbm:s6], $0xF7A  }
0x23: {  	s9 =	sor.u32 $0xD0000000, s2;
	s6 =	simm.s32 $0x108;
	_ =	swait.ge @!p0 [sflag:s8], $0x0  }
0x24: {  	s3 =	sadd.s32 $0x88, s3;
	s6 =	simm.s32 @!p1 $0x1082;
	[sflag:s4] =	ssyncset.s32 $0xFFFFF086  }
0x25: {  	[simem:s6], [sflag:s4] =	dma.local [hbm:s3], $0xF7A  }
0x26: {  	[smem:$0x3F8C] =	sst s1;
	(tag) =	ssettag s2;
	_ =	strace s9  }
0x27: {  	s1 =	sld [smem:$0x3F9C]  }
0x28: {  	s2 =	sld [smem:$0x3F9D]  }
0x29: {  	s4 =	sld [smem:$0x3F9F]  }
0x2a: {  	p0 =	seq.s32 s5, $0x0;
	s5 =	sld [smem:$0x3FA0]  }
0x2b: {  	s6 =	sld [smem:$0x3FA1]  }
0x2c: {  	s7 =	sld [smem:$0x3FA2]  }
0x2d: {  	s3 =	simm.s32 $0x108;
	s8 =	sld [smem:$0x3FA3]  }
0x2e: {  	s3 =	simm.s32 @!p0 $0x1082;
	s9 =	sld [smem:$0x3FA4]  }
0x2f: {  	lr =	sadd.s32 s0, s3;
	s0 =	sld [smem:$0x3F9B]  }
0x30: {  	s3 =	sld [smem:$0x3F9E]  }
0x31: {  	[smem:$0x3FA7] =	sst s10  }
0x32: {  	s10 =	sld [smem:$0x3FA5];
	_ =	sdelay $0x3  }
0x33: {  	p0 =	seq.s32 s10, $0x1;
	s10 =	sld [smem:$0x3FA7];
	_ =	sdelay $0x3  }
0x34: {  	[smem:$0x3FA7] =	sst s10  }
0x35: {  	s10 =	sld [smem:$0x3FA6];
	_ =	sdelay $0x3  }
0x36: {  	p1 =	seq.s32 s10, $0x1;
	s10 =	sld [smem:$0x3FA7];
	_ =	sdelay $0x3  }
0x37: {  	[smem:$0x3FA7] =	sst s10  }
0x38: {  	s10 =	sld [smem:$0x3FA8]  }
0x39: {  	_ = 	snop;
	(pc) =	sbr.ind lr, $3  }
0x3a: {  	_ = 	snop  }
0x3b: {  	_ = 	snop  }
0x3c: {  	p2 =	seq.s32 s10, $0x1;
	s10 =	sld [smem:$0x3FA7]  }
0x3d: {  	_ =	shalt  }
0x3e: {  	_ =	shalt  }
0x3f: {  	_ =	shalt  }
0x40: {  	_ =	shalt  }
0x41: {  	_ =	shalt  }
0x42: {  	_ =	shalt  }
0x43: {  	_ =	shalt  }
0x44: {  	_ =	shalt  }
0x45: {  	_ =	shalt  }
0x46: {  	_ =	shalt  }
0x47: {  	_ =	shalt  }
0x48: {  	_ =	shalt  }
0x49: {  	_ =	shalt  }
0x4a: {  	_ =	shalt  }
0x4b: {  	_ =	shalt  }
0x4c: {  	_ =	shalt  }
0x4d: {  	_ =	shalt  }
0x4e: {  	_ =	shalt  }
0x4f: {  	_ =	shalt  }
0x50: {  	_ =	shalt  }
0x51: {  	_ =	shalt  }
0x52: {  	_ =	shalt  }
0x53: {  	_ =	shalt  }
0x54: {  	_ =	shalt  }
0x55: {  	_ =	shalt  }
0x56: {  	_ =	shalt  }
0x57: {  	_ =	shalt  }
0x58: {  	_ =	shalt  }
0x59: {  	_ =	shalt  }
0x5a: {  	_ =	shalt  }
0x5b: {  	_ =	shalt  }
0x5c: {  	_ =	shalt  }
0x5d: {  	_ =	shalt  }
0x5e: {  	_ =	shalt  }
0x5f: {  	_ =	shalt  }
0x60: {  	_ =	shalt  }
0x61: {  	_ =	shalt  }
0x62: {  	_ =	shalt  }
0x63: {  	_ =	shalt  }
0x64: {  	_ =	shalt  }
0x65: {  	_ =	shalt  }
0x66: {  	_ =	shalt  }
0x67: {  	_ =	shalt  }
0x68: {  	_ =	shalt  }
0x69: {  	_ =	shalt  }
0x6a: {  	_ =	shalt  }
0x6b: {  	_ =	shalt  }
0x6c: {  	_ =	shalt  }
0x6d: {  	_ =	shalt  }
0x6e: {  	_ =	shalt  }
0x6f: {  	_ =	shalt  }
0x70: {  	_ =	shalt  }
0x71: {  	_ =	shalt  }
0x72: {  	_ =	shalt  }
0x73: {  	_ =	shalt  }
0x74: {  	_ =	shalt  }
0x75: {  	_ =	shalt  }
0x76: {  	_ =	shalt  }
0x77: {  	_ =	shalt  }
0x78: {  	_ =	shalt  }
0x79: {  	_ =	shalt  }
0x7a: {  	_ =	shalt  }
0x7b: {  	_ =	shalt  }
0x7c: {  	_ =	shalt  }
0x7d: {  	_ =	shalt  }
0x7e: {  	_ =	shalt  }
0x7f: {  	_ =	shalt  }
0x80: {  	_ =	shalt  }
0x81: {  	_ =	shalt  }
0x82: {  	_ =	shalt  }
0x83: {  	_ =	shalt  }
0x84: {  	_ =	shalt  }
0x85: {  	_ =	shalt  }
0x86: {  	_ =	shalt  }
0x87: {  	_ =	shalt  }
.Lfunc_end0:
.L_simem_size_0:
called_computation.2_lowered:
.L_overlay_start_0:
0x88: {  	s2 =	sld [smem:$0x3FD9]  }
0x89: {  	s3 =	sld [smem:$0x3FFE];
	_ =	sdelay $0x1  }
0x8a: {  	s1 =	srdreg.scid  }
0x8b: {  	s0 =	sand.u32 $0x1, s1  }
0x8c: {  	s16 =	sshll.u32 s0, $0xA;
	s2 =	sadd.s32 s3, s2  }
0x8d: {  	s2 =	sadd.s32 s2, s16  }
0x8e: {  	[smem:$0x3FB3] =	sst s2  }
0x8f: {  	_ = 	snop  }
0x90: {  	(tm) =	ssettm $0x1  }
0x91: {  	s17 =	sld [smem:$0x3FFB];
	_ =	sdelay $0x3  }
0x92: {  	_ =	strace s17  }
0x93: {  	s2 =	sld [smem:$0x3FFC];
	_ =	sdelay $0x3  }
0x94: {  	_ =	strace s2  }
0x95: {  	s2 =	sld [smem:$0x3FFD];
	_ =	sdelay $0x3  }
0x96: {  	_ =	strace s2  }
0x97: {  	_ =	strace $0x8FFFFFFF  }
0x98: {  	s18 =	sld [smem:$0x3FDB];
	_ =	sdelay $0x1  }
0x99: {  	s19 =	simm.s32 $_scs_section_size  }
0x9a: {  	s4 =	simm.s32 $_size__tile_overlayer_lowered;
	s5 =	simm.s32 $_tile_overlayer_lowered  }
0x9b: {  	s22 =	simm.s32 $0x1BFF;
	s21 =	sshll.u32 s5, $0x1;
	s2 =	sadd.s32 s19, s18  }
0x9c: {  	s6 =	simm.s32 $0x0;
	s20 =	sshll.u32 s4, $0x1;
	s4 =	sadd.s32 s21, s2  }
0x9d: {  	[timem:s6], [sflag:s22] =	dma.local [hbm:s4], s20  }
0x9e: {  	_ =	swait.ge [sflag:s22], s20  }
0x9f: {  	s3 =	ssub.s32 $0x0, s20;
	[sflag:s22] =	ssyncset.done $0x0  }
0xa0: {  	[sflag:s22] =	ssyncadd.s32 s3;
	_ =	sdelay $0x1  }
0xa1: {  	s23 =	simm.s32 $0x1B8B  }
0xa2: {  	_ =	swait.ge [sflag:s23], $0x1  }
0xa3: {  	[sflag:s23] =	ssyncset.done $0x0  }
0xa4: {  	s25 =	simm.s32 $0x1B8E;
	s24 =	sld [smem:$0x3FFE];
	[sflag:s23] =	ssyncadd.s32 $0xFFFFFFFF  }
0xa5: {  	s26 =	simm.s32 $execute0_lowered;
	[smem:$0x3FD2] =	sst s25  }
0xa6: {  	s4 =	sshll.u32 s26, $0x1;
	_ =	strace $0x8000004C;
	[dreg:$0x1] =	wrdreg $0xFFFFFFFF  }
0xa7: {  	s28 =	simm.s32 $_size_execute0_lowered;
	s2 =	sadd.s32 s2, s4;
	[dreg:$0x0] =	wrdreg $0x0  }
0xa8: {  	s4 =	sshll.u32 s28, $0x1;
	[dreg:$0x2] =	wrdreg s2  }
0xa9: {  	[dreg:$0x3] =	wrdreg s4  }
0xaa: {  	[dreg:$0x4] =	wrdreg $0xC0  }
0xab: {  	_ =	task [dreg:s6], $0x5FFFF  }
0xac: {  	[dreg:$0x1] =	wrdreg $0xFFFFFFFF  }
0xad: {  	[dreg:$0x0] =	wrdreg $0x60  }
0xae: {  	[dreg:$0x2] =	wrdreg s24  }
0xaf: {  	[dreg:$0x3] =	wrdreg $0x9  }
0xb0: {  	_ =	task.clear_ibuf [dreg:s6], $0x4FFFF;
	_ =	strace $0x9000004C  }
0xb1: {  	s29 =	simm.s32 $0x9;
	_ =	strace $0x8000004E  }
0xb2: {  	_ =	swait.ge [sflag:s29], $0x1  }
0xb3: {  	[sflag:s29] =	ssyncadd.s32 $0xFFFFFFFF  }
0xb4: {  	_ =	strace $0x9000004E  }
0xb5: {  	_ =	sfence  }
0xb6: {  	s30 =	sld [smem:$0x0];
	_ =	sdelay $0x2  }
0xb7: {  	s31 =	sshll.u32 s1, $0xD;
	s1 =	sshrl.u32 s1, $0x2  }
0xb8: {  	s3 =	sand.u32 $0x4000, s31;
	s1 =	sadd.s32 s1, s30  }
0xb9: {  	s0 =	sor.u32 s3, s0;
	s1 =	sshll.u32 s1, $0x11  }
0xba: {  	s0 =	sor.u32 s1, s0  }
0xbb: {  	s0 =	sadd.s32 $0x8F2B, s0  }
0xbc: {  	[sflag:s0] =	ssyncadd.remote.s32 $0x1  }
0xbd: {  	_ =	sfence.sel $0xFFFF  }
0xbe: {  	[dreg:$0x0] =	wrdreg $0xFFFFFFFF;
	(pc) =	sbr.abs _section_cstart, $3  }
0xbf: {  	[dreg:$0x1] =	wrdreg $0xFFFFFFFF  }
0xc0: {  	_ =	task.clear_ibuf [dreg:s6], $0x2FFFF;
	_ =	strace $0x9FFFFFFF  }
0xc1: {  	(tm) =	ssettm $0x7FFFFFFF  }
tec
execute0_lowered:
.L_overlay_start_1:
0x0: {  	(tag) =	ssettag $0x1  }
0x1: {  	s0 =	srdreg.scid  }
0x2: {  	s6 =	sand.u32 $0x1, s0  }
0x3: {  	s0 =	stileid.u32;
	s1 =	sshll.u32 s6, $0x4  }
0x4: {  	s7 =	sor.u32 s0, s1  }
0x5: {  	s8 =	rddreg [dreg:$0x0];
	s2 =	simm.s32 $0x0;
	s3 =	smul.u32 $0x9, s7  }
0x6: {  	[smem:$0x7FF] =	sst s2;
	s5 =	sadd.s32 $0x3600, s8;
	s10 =	ssub.s32 $0x2, s6  }
0x7: {  	s6 =	simm.s32 $0x48;
	s1 =	rddreg [dreg:$0x1];
	s3 =	sadd.s32 s3, s8  }
0x8: {  	_ =	strace $0x8000004D;
	s4 =	sadd.s32 $0xC2800, s3;
	s3 =	simm.s32 $0x1  }
0x9: {  	[tilespmem:s2], [sflag:$0x1] =	stream.linear.gather [hbm4b:s4+s2], $0x48, $0x38;
	[tilespmem:$0x2480] =	vst v63  }
0xa: {  	s11 =	sshrl.u32 s10, $0x1;
	s9 =	smul.u32 $0x480, s7;
	_ =	swait.ge [sflag:s3], $0x48  }
0xb: {  	s7 =	simm.s32 $0x80;
	s31 =	ssub.s32 s10, s11;
	[sflag:s3] =	ssyncset.done $0x0  }
0xc: {  	s8 =	sadd.s32 s9, s8;
	s9 =	smax.u32 s31, $0x1;
	[sflag:s3] =	ssyncadd.s32 $0xFFFFFFB8  }
0xd: {  	[tilespmem:s7], [sflag:$0x1] =	stream.indirect.gather [hbm4b:s5+s6], $0x80, s2, s6, $0xb8;
	[tilespmem:$0x2480] =	vst v63  }
0xe: {  	p0 =	sne.s32 s9, $0x1;
	_ =	swait.ge [sflag:s3], $0x2400  }
.Ltmp0:
0xf: {  	[sflag:s3] =	ssyncset.done $0x0;
	(pc) =	sbr.rel @!p0 .LBB2_2-.Ltmp0, $4  }
0x10: {  	s8 =	sadd.s32 $0x2A800, s8;
	[sflag:s3] =	ssyncadd.s32 $0xFFFFDC00  }
0x11: {  	[hbm4b:s8+s2] =	stream.linear.scatter [tilespmem:s7], [sflag:$0x1], $0x2400, $0x38;
	[tilespmem:$0x2480] =	vst v63  }
0x12: {  	_ =	swait.ge [sflag:s3], $0x2400  }
0x13: {  	s9 =	sadd.s32 $0xFFFFFFFF, s9;
	[sflag:s3] =	ssyncset.done $0x0  }
.LBB2_1:
0x14: {  	p0 =	sne.s32 s9, $0x1;
	s9 =	sadd.s32 $0xFFFFFFFF, s9;
	[sflag:s3] =	ssyncadd.s32 $0xFFFFDC00  }
0x15: {  	[tilespmem:s2], [sflag:$0x1] =	stream.linear.gather [hbm4b:s4+s2], $0x48, $0x38;
	[tilespmem:$0x2480] =	vst v63  }
0x16: {  	_ =	swait.ge [sflag:s3], $0x48  }
0x17: {  	[sflag:s3] =	ssyncset.done $0x0  }
0x18: {  	[sflag:s3] =	ssyncadd.s32 $0xFFFFFFB8  }
0x19: {  	[tilespmem:s7], [sflag:$0x1] =	stream.indirect.gather [hbm4b:s5+s6], $0x80, s2, s6, $0xb8;
	[tilespmem:$0x2480] =	vst v63  }
0x1a: {  	_ =	swait.ge [sflag:s3], $0x2400  }
.Ltmp1:
0x1b: {  	[sflag:s3] =	ssyncset.done $0x0;
	(pc) =	sbr.rel @p0 .LBB2_1-.Ltmp1, $4  }
0x1c: {  	[sflag:s3] =	ssyncadd.s32 $0xFFFFDC00  }
0x1d: {  	[hbm4b:s8+s2] =	stream.linear.scatter [tilespmem:s7], [sflag:$0x1], $0x2400, $0x38;
	[tilespmem:$0x2480] =	vst v63  }
0x1e: {  	_ =	swait.ge [sflag:s3], $0x2400  }
0x1f: {  	[sflag:s3] =	ssyncset.done $0x0  }
.LBB2_2:
0x20: {  	[sflag:s3] =	ssyncadd.s32 $0xFFFFDC00  }
0x21: {  	_ =	sfence.sel $0x180000  }
0x22: {  	[bflag:$0x0] =	sbarrier.arrive $0xFFFF  }
0x23: {  	p0 =	sne.s32 s0, $0x0;
	_ =	strace $0x9000004D  }
0x24: {  	s0 =	sadd.s32 @!p0 $0x100000, s1;
	[bflag:$0x2] =	sbarrier.arrive $0xFFFF  }
0x25: {  	[sflag:s0] =	ssyncadd.tile.s32 @!p0 $0x1;
	_ =	shalt  }
.Lfunc_end2:
_tile_overlayer_lowered:
.L_overlay_start_2:
0x26: {  	(tag) =	ssettag $0x2  }
0x27: {  	s0 =	rddreg [dreg:$0x0];
	s2 =	stileid.u32  }
0x28: {  	s1 =	rddreg [dreg:$0x1];
	p0 =	sne.s32 s2, $0x0  }
0x29: {  	s3 =	rddreg [dreg:$0x2];
	[bflag:$0x3] =	sbarrier.arrive $0xFFFF;
	s2 =	simm.s32 @!p0 $0x1C01  }
0x2a: {  	[timem:s3], [sflag:s2] =	dma.local @!p0 [hbm:s0], s1  }
0x2b: {  	s0 =	simm.s32 @!p0 $0x1  }
0x2c: {  	_ =	swait.ge @!p0 [sflag:s0], s1  }
0x2d: {  	s1 =	ssub.s32 @!p0 $0x0, s1;
	[sflag:s0] =	ssyncset.done @!p0 $0x0  }
0x2e: {  	[sflag:s0] =	ssyncadd.s32 @!p0 s1  }
0x2f: {  	[bflag:$0x3] =	sbarrier.arrive $0xFFFF  }
0x30: {  	_ =	shalt  }

// kernel: kernel.8.cloned.1.call-start
scs
__scs_entry_jumppad:
0x0: {  	(pc) =	sbr.rel $0x88, $3  }
0x1: {  	(tag) =	ssettag $0x0;
	lr =	simm.s32 $0x1  }
0x2: {  	[smem:$0x3F8C] =	sst lr;
	_ =	strace $0xD0000000  }
0x3: {  	_ = 	snop  }
0x4: {  	_ = 	snop  }
0x5: {  	_ = 	snop  }
0x6: {  	_ = 	snop  }
0x7: {  	_ = 	snop  }
__scs_overlays_trampoline_lowered:
0x8: {  	[smem:$0x3F9B] =	sst s0  }
0x9: {  	[smem:$0x3F9C] =	sst s1  }
0xa: {  	[smem:$0x3F9D] =	sst s2  }
0xb: {  	[smem:$0x3F9E] =	sst s3  }
0xc: {  	[smem:$0x3F9F] =	sst s4  }
0xd: {  	[smem:$0x3FA0] =	sst s5  }
0xe: {  	[smem:$0x3FA1] =	sst s6  }
0xf: {  	[smem:$0x3FA2] =	sst s7  }
0x10: {  	[smem:$0x3FA3] =	sst s8  }
0x11: {  	[smem:$0x3FA4] =	sst s9;
	s0 =	simm.s32 @!p0 $0x0  }
0x12: {  	s1 =	sld [smem:$0x3F8A];
	s0 =	simm.s32 @p0 $0x1  }
0x13: {  	[smem:$0x3FA5] =	sst s0;
	s0 =	simm.s32 @!p1 $0x0  }
0x14: {  	s2 =	sld [smem:$0x3F89];
	s0 =	simm.s32 @p1 $0x1  }
0x15: {  	[smem:$0x3FA6] =	sst s0;
	s0 =	simm.s32 @!p2 $0x0  }
0x16: {  	s3 =	sld [smem:$0x3FDB];
	s0 =	simm.s32 @p2 $0x1  }
0x17: {  	s4 =	simm.s32 $0x1BF5;
	[smem:$0x3FA8] =	sst s0  }
0x18: {  	s0 =	sld [smem:$0x3F8B];
	_ =	swait.ge [sflag:s4], $0x0  }
0x19: {  	s7 =	sld [smem:$0x3F8C]  }
0x1a: {  	s8 =	sadd.s32 $0xFFFFE003, lr  }
0x1b: {  	s9 =	sadd.s32 $0xFFFFFEF7, lr;
	s5 =	simm.s32 $0xFFFFFFFF;
	p2 =	slt.u32 s8, $0xFFFFF086  }
0x1c: {  	p1 =	slt.u32 s9, $0xF7A;
	s5 =	simm.s32 @!p2 $0x0  }
0x1d: {  	s5 =	simm.s32 @p1 $0x1;
	p0 =	seq.s32 s7, s2  }
0x1e: {  	s7 =	smul.u32 @!p0 $0xF7A, s2;
	p2 =	seq.s32 @!p0 s5, $0x0  }
0x1f: {  	s9 =	smul.u32 $0xF7A, s1;
	s8 =	simm.s32 @!p0 $0x1BF5;
	p2 =	por !p2, p0  }
0x20: {  	[sflag:s8] =	ssyncset.s32 @!p0 $0xFFFFF086;
	s6 =	sadd.s32 @!p0 s3, s7;
	s7 =	simm.s32 @!p0 $0x108  }
0x21: {  	s3 =	sadd.s32 s3, s9;
	s6 =	sadd.s32 @!p0 $0x88, s6;
	s7 =	simm.s32 @p2 $0x1082  }
0x22: {  	[simem:s7], [sflag:s8] =	dma.local @!p0 [hbm:s6], $0xF7A  }
0x23: {  	s9 =	sor.u32 $0xD0000000, s2;
	s6 =	simm.s32 $0x108;
	_ =	swait.ge @!p0 [sflag:s8], $0x0  }
0x24: {  	s3 =	sadd.s32 $0x88, s3;
	s6 =	simm.s32 @!p1 $0x1082;
	[sflag:s4] =	ssyncset.s32 $0xFFFFF086  }
0x25: {  	[simem:s6], [sflag:s4] =	dma.local [hbm:s3], $0xF7A  }
0x26: {  	[smem:$0x3F8C] =	sst s1;
	(tag) =	ssettag s2;
	_ =	strace s9  }
0x27: {  	s1 =	sld [smem:$0x3F9C]  }
0x28: {  	s2 =	sld [smem:$0x3F9D]  }
0x29: {  	s4 =	sld [smem:$0x3F9F]  }
0x2a: {  	p0 =	seq.s32 s5, $0x0;
	s5 =	sld [smem:$0x3FA0]  }
0x2b: {  	s6 =	sld [smem:$0x3FA1]  }
0x2c: {  	s7 =	sld [smem:$0x3FA2]  }
0x2d: {  	s3 =	simm.s32 $0x108;
	s8 =	sld [smem:$0x3FA3]  }
0x2e: {  	s3 =	simm.s32 @!p0 $0x1082;
	s9 =	sld [smem:$0x3FA4]  }
0x2f: {  	lr =	sadd.s32 s0, s3;
	s0 =	sld [smem:$0x3F9B]  }
0x30: {  	s3 =	sld [smem:$0x3F9E]  }
0x31: {  	[smem:$0x3FA7] =	sst s10  }
0x32: {  	s10 =	sld [smem:$0x3FA5];
	_ =	sdelay $0x3  }
0x33: {  	p0 =	seq.s32 s10, $0x1;
	s10 =	sld [smem:$0x3FA7];
	_ =	sdelay $0x3  }
0x34: {  	[smem:$0x3FA7] =	sst s10  }
0x35: {  	s10 =	sld [smem:$0x3FA6];
	_ =	sdelay $0x3  }
0x36: {  	p1 =	seq.s32 s10, $0x1;
	s10 =	sld [smem:$0x3FA7];
	_ =	sdelay $0x3  }
0x37: {  	[smem:$0x3FA7] =	sst s10  }
0x38: {  	s10 =	sld [smem:$0x3FA8]  }
0x39: {  	_ = 	snop;
	(pc) =	sbr.ind lr, $3  }
0x3a: {  	_ = 	snop  }
0x3b: {  	_ = 	snop  }
0x3c: {  	p2 =	seq.s32 s10, $0x1;
	s10 =	sld [smem:$0x3FA7]  }
0x3d: {  	_ =	shalt  }
0x3e: {  	_ =	shalt  }
0x3f: {  	_ =	shalt  }
0x40: {  	_ =	shalt  }
0x41: {  	_ =	shalt  }
0x42: {  	_ =	shalt  }
0x43: {  	_ =	shalt  }
0x44: {  	_ =	shalt  }
0x45: {  	_ =	shalt  }
0x46: {  	_ =	shalt  }
0x47: {  	_ =	shalt  }
0x48: {  	_ =	shalt  }
0x49: {  	_ =	shalt  }
0x4a: {  	_ =	shalt  }
0x4b: {  	_ =	shalt  }
0x4c: {  	_ =	shalt  }
0x4d: {  	_ =	shalt  }
0x4e: {  	_ =	shalt  }
0x4f: {  	_ =	shalt  }
0x50: {  	_ =	shalt  }
0x51: {  	_ =	shalt  }
0x52: {  	_ =	shalt  }
0x53: {  	_ =	shalt  }
0x54: {  	_ =	shalt  }
0x55: {  	_ =	shalt  }
0x56: {  	_ =	shalt  }
0x57: {  	_ =	shalt  }
0x58: {  	_ =	shalt  }
0x59: {  	_ =	shalt  }
0x5a: {  	_ =	shalt  }
0x5b: {  	_ =	shalt  }
0x5c: {  	_ =	shalt  }
0x5d: {  	_ =	shalt  }
0x5e: {  	_ =	shalt  }
0x5f: {  	_ =	shalt  }
0x60: {  	_ =	shalt  }
0x61: {  	_ =	shalt  }
0x62: {  	_ =	shalt  }
0x63: {  	_ =	shalt  }
0x64: {  	_ =	shalt  }
0x65: {  	_ =	shalt  }
0x66: {  	_ =	shalt  }
0x67: {  	_ =	shalt  }
0x68: {  	_ =	shalt  }
0x69: {  	_ =	shalt  }
0x6a: {  	_ =	shalt  }
0x6b: {  	_ =	shalt  }
0x6c: {  	_ =	shalt  }
0x6d: {  	_ =	shalt  }
0x6e: {  	_ =	shalt  }
0x6f: {  	_ =	shalt  }
0x70: {  	_ =	shalt  }
0x71: {  	_ =	shalt  }
0x72: {  	_ =	shalt  }
0x73: {  	_ =	shalt  }
0x74: {  	_ =	shalt  }
0x75: {  	_ =	shalt  }
0x76: {  	_ =	shalt  }
0x77: {  	_ =	shalt  }
0x78: {  	_ =	shalt  }
0x79: {  	_ =	shalt  }
0x7a: {  	_ =	shalt  }
0x7b: {  	_ =	shalt  }
0x7c: {  	_ =	shalt  }
0x7d: {  	_ =	shalt  }
0x7e: {  	_ =	shalt  }
0x7f: {  	_ =	shalt  }
0x80: {  	_ =	shalt  }
0x81: {  	_ =	shalt  }
0x82: {  	_ =	shalt  }
0x83: {  	_ =	shalt  }
0x84: {  	_ =	shalt  }
0x85: {  	_ =	shalt  }
0x86: {  	_ =	shalt  }
0x87: {  	_ =	shalt  }
.Lfunc_end0:
.L_simem_size_0:
called_computation_lowered:
.L_overlay_start_0:
0x88: {  	s2 =	sld [smem:$0x3FD9]  }
0x89: {  	s3 =	sld [smem:$0x3FFE];
	_ =	sdelay $0x1  }
0x8a: {  	s1 =	srdreg.scid  }
0x8b: {  	s0 =	sand.u32 $0x1, s1  }
0x8c: {  	s17 =	sshll.u32 s0, $0xA;
	s2 =	sadd.s32 s3, s2  }
0x8d: {  	s2 =	sadd.s32 s2, s17  }
0x8e: {  	[smem:$0x3FB3] =	sst s2  }
0x8f: {  	_ = 	snop  }
0x90: {  	s2 =	sld [smem:$0x3FC9];
	(tm) =	ssettm $0x1  }
0x91: {  	s18 =	sld [smem:$0x3FFB];
	_ =	sdelay $0x3  }
0x92: {  	_ =	strace s18  }
0x93: {  	s3 =	sld [smem:$0x3FFC];
	_ =	sdelay $0x3  }
0x94: {  	_ =	strace s3  }
0x95: {  	s3 =	sld [smem:$0x3FFD];
	_ =	sdelay $0x3  }
0x96: {  	_ =	strace s3  }
0x97: {  	_ =	strace $0x8FFFFFFF  }
0x98: {  	s19 =	sld [smem:$0x3FDB];
	_ =	sdelay $0x1  }
0x99: {  	s4 =	simm.s32 $_scs_section_size  }
0x9a: {  	s5 =	simm.s32 $_size__tile_overlayer_lowered;
	s6 =	simm.s32 $_tile_overlayer_lowered  }
0x9b: {  	s22 =	simm.s32 $0x1BFF;
	s21 =	sshll.u32 s6, $0x1;
	s3 =	sadd.s32 s4, s19  }
0x9c: {  	s7 =	simm.s32 $0x0;
	s20 =	sshll.u32 s5, $0x1;
	s5 =	sadd.s32 s21, s3  }
0x9d: {  	[timem:s7], [sflag:s22] =	dma.local [hbm:s5], s20  }
0x9e: {  	_ =	swait.ge [sflag:s22], s20  }
0x9f: {  	s4 =	ssub.s32 $0x0, s20;
	[sflag:s22] =	ssyncset.done $0x0  }
0xa0: {  	[sflag:s22] =	ssyncadd.s32 s4;
	_ =	sdelay $0x1  }
0xa1: {  	s23 =	simm.s32 $0x1B8B  }
0xa2: {  	_ =	swait.ge [sflag:s23], $0x1  }
0xa3: {  	[sflag:s23] =	ssyncset.done $0x0  }
0xa4: {  	s25 =	simm.s32 $0x1B8E;
	s24 =	sld [smem:$0x3FFE];
	[sflag:s23] =	ssyncadd.s32 $0xFFFFFFFF  }
0xa5: {  	s26 =	simm.s32 $execute0_lowered;
	[smem:$0x3FD2] =	sst s25  }
0xa6: {  	s5 =	sshll.u32 s26, $0x1;
	_ =	strace $0x80000046;
	[dreg:$0x1] =	wrdreg $0xFFFFFFFF  }
0xa7: {  	s28 =	simm.s32 $_size_execute0_lowered;
	s3 =	sadd.s32 s3, s5;
	[dreg:$0x0] =	wrdreg $0x0  }
0xa8: {  	s5 =	sshll.u32 s28, $0x1;
	[dreg:$0x2] =	wrdreg s3  }
0xa9: {  	[dreg:$0x3] =	wrdreg s5  }
0xaa: {  	[dreg:$0x4] =	wrdreg $0xC0  }
0xab: {  	_ =	task [dreg:s7], $0x5FFFF  }
0xac: {  	[dreg:$0x1] =	wrdreg $0xFFFFFFFF  }
0xad: {  	[dreg:$0x0] =	wrdreg $0x60  }
0xae: {  	[dreg:$0x2] =	wrdreg s2  }
0xaf: {  	[dreg:$0x3] =	wrdreg s24  }
0xb0: {  	[dreg:$0x4] =	wrdreg $0xA8000  }
0xb1: {  	[dreg:$0x5] =	wrdreg $0x9  }
0xb2: {  	_ =	task.clear_ibuf [dreg:s7], $0x6FFFF;
	_ =	strace $0x90000046  }
0xb3: {  	s29 =	simm.s32 $0x9;
	_ =	strace $0x80000048  }
0xb4: {  	_ =	swait.ge [sflag:s29], $0x1  }
0xb5: {  	[sflag:s29] =	ssyncadd.s32 $0xFFFFFFFF  }
0xb6: {  	_ =	strace $0x90000048  }
0xb7: {  	_ =	sfence  }
0xb8: {  	s30 =	sld [smem:$0x0];
	_ =	sdelay $0x2  }
0xb9: {  	s31 =	sshll.u32 s1, $0xD;
	s1 =	sshrl.u32 s1, $0x2  }
0xba: {  	s3 =	sand.u32 $0x4000, s31;
	s1 =	sadd.s32 s1, s30  }
0xbb: {  	s0 =	sor.u32 s3, s0;
	s1 =	sshll.u32 s1, $0x11  }
0xbc: {  	s0 =	sor.u32 s1, s0  }
0xbd: {  	s0 =	sadd.s32 $0x8F2B, s0  }
0xbe: {  	[sflag:s0] =	ssyncadd.remote.s32 $0x1  }
0xbf: {  	_ =	sfence.sel $0xFFFF  }
0xc0: {  	[dreg:$0x0] =	wrdreg $0xFFFFFFFF;
	(pc) =	sbr.abs _section_cstart, $3  }
0xc1: {  	[dreg:$0x1] =	wrdreg $0xFFFFFFFF  }
0xc2: {  	_ =	task.clear_ibuf [dreg:s7], $0x2FFFF;
	_ =	strace $0x9FFFFFFF  }
0xc3: {  	(tm) =	ssettm $0x7FFFFFFF  }
tec
execute0_lowered:
.L_overlay_start_1:
0x0: {  	(tag) =	ssettag $0x1  }
0x1: {  	s1 =	rddreg [dreg:$0x0]  }
0x2: {  	s5 =	rddreg [dreg:$0x1]  }
0x3: {  	s3 =	rddreg [dreg:$0x2]  }
0x4: {  	s0 =	rddreg [dreg:$0x3]  }
0x5: {  	s6 =	srdreg.scid;
	s4 =	simm.s32 $0x0;
	s2 =	stileid.u32  }
0x6: {  	s14 =	simm.s32 $0x50;
	s15 =	simm.s32 $0x8000;
	s16 =	simm.s32 $0x0  }
0x7: {  	s6 =	sand.u32 $0x1, s6;
	s8 =	sshll.u32 s2, $0xB;
	s9 =	smul.u32 $0x14000, s2  }
0x8: {  	[smem:$0x7FF] =	sst s4;
	s28 =	smul.u32 $0x50000, s2;
	s31 =	sshll.u32 s2, $0x6  }
0x9: {  	s7 =	sshll.u32 s6, $0xF;
	s25 =	smul.u32 $0x140000, s6;
	_ =	strace $0x80000047  }
0xa: {  	s6 =	ssub.s32 $0x2, s6;
	s7 =	sor.u32 s8, s7;
	s26 =	sshrl.u32 s9, $0x3  }
0xb: {  	s29 =	sshrl.u32 s6, $0x1;
	s30 =	sshrl.u32 s28, $0x2;
	s10 =	sadd.s32 s7, s5  }
0xc: {  	s8 =	sadd.s32 s9, s25;
	s7 =	sadd.s32 s26, s5;
	s12 =	ssub.s32 s6, s29  }
0xd: {  	s13 =	sadd.s32 s30, s3;
	s6 =	sor.u32 $0x1C01, s31;
	s8 =	sshrl.u32 s8, $0x3  }
0xe: {  	s11 =	sadd.s32 s8, s5;
	s5 =	sadd.s32 $0x23600, s7;
	s7 =	sadd.s32 $0x3600, s10  }
0xf: {  	s8 =	sadd.s32 $0x13600, s10;
	s10 =	smax.u32 s12, $0x1;
	s12 =	simm.s32 $0x1  }
0x10: {  	s9 =	sadd.s32 $0x4B600, s11;
	s11 =	sshrl.u32 s13, $0x3;
	s13 =	simm.s32 $0x4000  }
.LBB2_1:
0x11: {  	[spmem:s11], [sflag:s6] =	dma.local [hbm:s5], $0x2800  }
0x12: {  	_ =	swait.ge [sflag:s12], $0x2800  }
0x13: {  	[sflag:s12] =	ssyncset.done $0x0  }
0x14: {  	[sflag:s12] =	ssyncadd.s32 $0xFFFFD800  }
0x15: {  	[tilespmem:s4], [sflag:$0x1] =	stream.linear.gather [hbm4b:s7+s4], $0x3E80, $0x38;
	[tilespmem:$0x1E800] =	vst v63  }
0x16: {  	_ =	swait.ge [sflag:s12], $0x3E80  }
0x17: {  	[sflag:s12] =	ssyncset.done $0x0  }
0x18: {  	[sflag:s12] =	ssyncadd.s32 $0xFFFFC180  }
0x19: {  	[tilespmem:s13], [sflag:$0x1] =	stream.linear.gather [hbm4b:s8+s4], $0x3E80, $0x38;
	[tilespmem:$0x1E800] =	vst v63  }
0x1a: {  	_ =	swait.ge [sflag:s12], $0x3E80  }
0x1b: {  	[sflag:s12] =	ssyncset.done $0x0  }
0x1c: {  	[sflag:s12] =	ssyncadd.s32 $0xFFFFC180  }
0x1d: {  	s17 =	simm.s32 $0x0;
	[bflag:$0x0] =	sbarrier.arrive $0xFFFF  }
0x1e: {  	[tilespmem:s15], [sflag:$0x1] =	stream.indirect.gather [hbm4b:s1+s14], $0x80, s17, s14, $0xb8;
	[tilespmem:$0x1E800] =	vst v63  }
0x1f: {  	_ =	swait.ge [sflag:s12], $0x2800  }
0x20: {  	[sflag:s12] =	ssyncset.done $0x0  }
0x21: {  	s31 =	simm.s32 $0x4000;
	[sflag:s12] =	ssyncadd.s32 $0xFFFFD800  }
0x22: {  	[spmem:s3] =	stream.indirect.scatter.add.f32 [tilespmem:s15], [sflag:$0x1], $0x80, s31, s14, $0xb8;
	[tilespmem:$0x1E800] =	vst v63  }
0x23: {  	_ =	swait.ge [sflag:s12], $0x2800  }
0x24: {  	s18 =	simm.s32 $0x400;
	s17 =	simm.s32 $0x200;
	[sflag:s12] =	ssyncset.done $0x0  }
.LBB2_2:
0x25: {  	s19 =	sshra.s32 s17, $0x2  }
0x26: {  	[sflag:s12] =	ssyncadd.s32 $0xFFFFD800;
	s17 =	smov.u32 s18;
	s20 =	sadd.s32 $0x200, s18  }
0x27: {  	[tilespmem:s15], [sflag:$0x1] =	stream.indirect.gather [hbm4b:s1+s14], $0x80, s19, s14, $0xb8;
	[tilespmem:$0x1E800] =	vst v63  }
0x28: {  	p0 =	sne.s32 s18, $0xF800;
	_ =	swait.ge [sflag:s12], $0x2800  }
.Ltmp0:
0x29: {  	[sflag:s12] =	ssyncset.done $0x0;
	(pc) =	sbr.rel @p0 .LBB2_2-.Ltmp0, $4  }
0x2a: {  	s18 =	sadd.s32 $0x4000, s19;
	[sflag:s12] =	ssyncadd.s32 $0xFFFFD800  }
0x2b: {  	[spmem:s3] =	stream.indirect.scatter.add.f32 [tilespmem:s15], [sflag:$0x1], $0x80, s18, s14, $0xb8;
	[tilespmem:$0x1E800] =	vst v63  }
0x2c: {  	_ =	swait.ge [sflag:s12], $0x2800  }
0x2d: {  	s18 =	smov.u32 s20;
	[sflag:s12] =	ssyncset.done $0x0  }
0x2e: {  	s17 =	sshra.s32 s17, $0x2;
	[sflag:s12] =	ssyncadd.s32 $0xFFFFD800  }
0x2f: {  	[tilespmem:s15], [sflag:$0x1] =	stream.indirect.gather [hbm4b:s1+s14], $0x80, s17, s14, $0xb8;
	[tilespmem:$0x1E800] =	vst v63  }
0x30: {  	_ =	swait.ge [sflag:s12], $0x2800  }
0x31: {  	[sflag:s12] =	ssyncset.done $0x0  }
0x32: {  	s17 =	sadd.s32 $0x4000, s17;
	[sflag:s12] =	ssyncadd.s32 $0xFFFFD800  }
0x33: {  	[spmem:s3] =	stream.indirect.scatter.add.f32 [tilespmem:s15], [sflag:$0x1], $0x80, s17, s14, $0xb8;
	[tilespmem:$0x1E800] =	vst v63  }
0x34: {  	_ =	swait.ge [sflag:s12], $0x2800  }
0x35: {  	s16 =	sadd.s32 $0x1, s16;
	[sflag:s12] =	ssyncset.done $0x0  }
0x36: {  	p0 =	sne.s32 s16, s10;
	[sflag:s12] =	ssyncadd.s32 $0xFFFFD800  }
.Ltmp1:
0x37: {  	[bflag:$0x0] =	sbarrier.arrive $0xFFFF;
	(pc) =	sbr.rel @p0 .LBB2_1-.Ltmp1, $4  }
0x38: {  	[hbm:s9], [sflag:s6] =	dma.local [spmem:s11], $0x2800  }
0x39: {  	_ =	swait.ge [sflag:s12], $0x2800  }
0x3a: {  	[sflag:s12] =	ssyncset.done $0x0  }
0x3b: {  	[sflag:s12] =	ssyncadd.s32 $0xFFFFD800  }
0x3c: {  	_ =	sfence.sel $0x180000  }
0x3d: {  	[bflag:$0x0] =	sbarrier.arrive $0xFFFF  }
0x3e: {  	p0 =	sne.s32 s2, $0x0;
	_ =	strace $0x90000047  }
0x3f: {  	s0 =	sadd.s32 @!p0 $0x100000, s0;
	[bflag:$0x2] =	sbarrier.arrive $0xFFFF  }
0x40: {  	[sflag:s0] =	ssyncadd.tile.s32 @!p0 $0x1;
	_ =	shalt  }
.Lfunc_end2:
_tile_overlayer_lowered:
.L_overlay_start_2:
0x41: {  	(tag) =	ssettag $0x2  }
0x42: {  	s0 =	rddreg [dreg:$0x0];
	s2 =	stileid.u32  }
0x43: {  	s1 =	rddreg [dreg:$0x1];
	p0 =	sne.s32 s2, $0x0  }
0x44: {  	s3 =	rddreg [dreg:$0x2];
	[bflag:$0x3] =	sbarrier.arrive $0xFFFF;
	s2 =	simm.s32 @!p0 $0x1C01  }
0x45: {  	[timem:s3], [sflag:s2] =	dma.local @!p0 [hbm:s0], s1  }
0x46: {  	s0 =	simm.s32 @!p0 $0x1  }
0x47: {  	_ =	swait.ge @!p0 [sflag:s0], s1  }
0x48: {  	s1 =	ssub.s32 @!p0 $0x0, s1;
	[sflag:s0] =	ssyncset.done @!p0 $0x0  }
0x49: {  	[sflag:s0] =	ssyncadd.s32 @!p0 s1  }
0x4a: {  	[bflag:$0x3] =	sbarrier.arrive $0xFFFF  }
0x4b: {  	_ =	shalt  }

</sc_bundles>
